<compile_context>
chip_gen: v7x
topology: tpu7x:2x2x1
jax: 0.10.2.dev20260603
libtpu: 0.0.44.dev20260713+nightly
codegen_flags: <defaults>
</compile_context>

<pallas_src>
import functools

import jax
import jax.numpy as jnp
from jax import lax
from jax.experimental import pallas as pl
from jax.experimental.pallas import tpu as pltpu
from jax.experimental.pallas import tpu_sc as plsc

_SCALE = 65536.0
_N = 16777216
_NC, _NS, _L = 2, 16, 16
_NW = _NC * _NS
_PER_W = _N // _NW
_C = 16384
_NCHUNK = _PER_W // _C
_NVEC = _C // _L
_UNROLL = 16


def _compute_chunk(xs, ys, bp_v, b_v, m_v, ra_v):

    @plsc.parallel_loop(0, _NVEC, 1, unroll=_UNROLL)
    def _(v):
        sl = pl.ds(v * _L, _L)
        xq = (xs[sl] * _SCALE).astype(jnp.int32)
        pos = jnp.zeros((_L,), jnp.int32)
        for step in (8, 4, 2, 1):
            g = plsc.load_gather(bp_v, [pos + (step - 1)])
            pos = jnp.where(g <= xq, pos + step, pos)
        b = plsc.load_gather(b_v, [pos])
        m = plsc.load_gather(m_v, [pos])
        ra = plsc.load_gather(ra_v, [pos])
        y = b + m * jnp.right_shift(xq, ra)
        ys[sl] = y.astype(jnp.float32) * (1.0 / _SCALE)


def _body(x_hbm, bp_hbm, b_hbm, m_hbm, ra_hbm, out_hbm,
          xbuf0, xbuf1, ybuf0, ybuf1, bp_v, b_v, m_v, ra_v,
          sin0, sin1, sout0, sout1):
    xbuf = (xbuf0, xbuf1)
    ybuf = (ybuf0, ybuf1)
    wid = lax.axis_index("s") * _NC + lax.axis_index("c")
    base = wid * _PER_W
    pltpu.sync_copy(bp_hbm, bp_v)
    pltpu.sync_copy(b_hbm, b_v)
    pltpu.sync_copy(m_hbm, m_v)
    pltpu.sync_copy(ra_hbm, ra_v)

    sin = (sin0, sin1)
    sout = (sout0, sout1)
    pltpu.async_copy(x_hbm.at[pl.ds(base, _C)], xbuf[0], sin0)
    pltpu.async_copy(x_hbm.at[pl.ds(base + _C, _C)], xbuf[1], sin1)

    @pl.loop(0, _NCHUNK, step=2)
    def _(ci0):
        for slot in range(2):
            ci = ci0 + slot
            off = base + ci * _C
            pltpu.make_async_copy(
                x_hbm.at[pl.ds(off, _C)], xbuf[slot], sin[slot]).wait()
            @pl.when(ci >= 2)
            def _():
                pltpu.make_async_copy(
                    ybuf[slot], out_hbm.at[pl.ds(off - 2 * _C, _C)],
                    sout[slot]).wait()
            _compute_chunk(xbuf[slot], ybuf[slot],
                           bp_v, b_v, m_v, ra_v)
            pltpu.async_copy(
                ybuf[slot], out_hbm.at[pl.ds(off, _C)], sout[slot])
            @pl.when(ci + 2 < _NCHUNK)
            def _():
                pltpu.async_copy(
                    x_hbm.at[pl.ds(off + 2 * _C, _C)], xbuf[slot],
                    sin[slot])

    for slot in range(2):
        off = base + (_NCHUNK - 2 + slot) * _C
        pltpu.make_async_copy(
            ybuf[slot], out_hbm.at[pl.ds(off, _C)], sout[slot]).wait()


def kernel(x, breakpoints, intercepts, signs, exps):
    bp16 = jnp.concatenate(
        [breakpoints.astype(jnp.int32), jnp.zeros((1,), jnp.int32)])
    m1 = jnp.left_shift(signs.astype(jnp.int32),
                        jnp.maximum(exps, 0).astype(jnp.int32))
    ra = jnp.maximum(-exps, 0).astype(jnp.int32)

    mesh = plsc.VectorSubcoreMesh(core_axis_name="c", subcore_axis_name="s")
    run = functools.partial(
        pl.kernel,
        out_type=jax.ShapeDtypeStruct((_N,), jnp.float32),
        mesh=mesh,
        compiler_params=pltpu.CompilerParams(needs_layout_passes=False),
        scratch_types=[
            pltpu.VMEM((_C,), jnp.float32),
            pltpu.VMEM((_C,), jnp.float32),
            pltpu.VMEM((_C,), jnp.float32),
            pltpu.VMEM((_C,), jnp.float32),
            pltpu.VMEM((_L,), jnp.int32),
            pltpu.VMEM((_L,), jnp.int32),
            pltpu.VMEM((_L,), jnp.int32),
            pltpu.VMEM((_L,), jnp.int32),
            pltpu.SemaphoreType.DMA,
            pltpu.SemaphoreType.DMA,
            pltpu.SemaphoreType.DMA,
            pltpu.SemaphoreType.DMA,
        ],
    )(_body)
    return run(x, bp16, intercepts.astype(jnp.int32), m1, ra)

# --- scband reference (transcript-rebuilt; emitter-appended) ---
"""Pipeline reference for scband-placmodule-1795296330414 (READ-ONLY COPY).

The authoritative reference and input builder live on the scoring server;
editing this copy changes nothing except your own understanding.
"""

import jax, jax.numpy as jnp
import numpy as np

SCALE = 65536.0
N_SEGMENTS = 16


def setup_inputs(seed: int = 0) -> dict:
    key = jax.random.key(seed)
    k1, k2, k3, k4, k5 = jax.random.split(key, 5)
    x = jax.random.normal(k1, (16777216,), dtype=jnp.float32)
    # sorted Q16 breakpoints spanning roughly [-4.0, 4.0] in fixed point
    breakpoints = jnp.sort(jax.random.randint(k2, (N_SEGMENTS - 1,), -262144, 262144, dtype=jnp.int32))
    intercepts = jax.random.randint(k3, (N_SEGMENTS,), -65536, 65536, dtype=jnp.int32)
    signs = (2 * jax.random.randint(k4, (N_SEGMENTS,), 0, 2, dtype=jnp.int32) - 1).astype(jnp.int32)
    exps = jax.random.randint(k5, (N_SEGMENTS,), -3, 3, dtype=jnp.int32)
    return {"x": x, "breakpoints": breakpoints, "intercepts": intercepts, "signs": signs, "exps": exps}


def _plac_int32(x_q16, breakpoints, intercepts, signs, exps):
    # segment lookup: number of breakpoints <= x gives segment index in [0, n_segments-1]
    idx = jnp.searchsorted(breakpoints, x_q16, side='right')
    b = jnp.take(intercepts, idx)
    s = jnp.take(signs, idx)
    e = jnp.take(exps, idx)
    # power-of-two slope applied via shifts in Q16 fixed point
    left = jnp.left_shift(x_q16, jnp.maximum(e, 0))
    right = jnp.right_shift(x_q16, jnp.maximum(-e, 0))
    slope_term = jnp.where(e >= 0, left, right)
    return b + s * slope_term


def reference(x, breakpoints, intercepts, signs, exps):
    x_q16 = (x.astype(jnp.float32) * SCALE).astype(jnp.int32)
    y_q16 = _plac_int32(x_q16, breakpoints, intercepts, signs, exps)
    return (y_q16.astype(jnp.float32) / SCALE).astype(x.dtype)

if __name__ == "__main__":
    import jax
    _d = setup_inputs()
    print(jax.jit(kernel)(*tuple(_d.values())))

</pallas_src>

<mosaic_0001>
#map = affine_map<(d0, d1) -> (0)>
module attributes {stable_mosaic.version = 14 : i64} {
  func.func @_body(%arg0: i32, %arg1: i32, %arg2: memref<16777216xf32, #tpu.memory_space<hbm>>, %arg3: memref<16xi32, #tpu.memory_space<hbm>>, %arg4: memref<16xi32, #tpu.memory_space<hbm>>, %arg5: memref<16xi32, #tpu.memory_space<hbm>>, %arg6: memref<16xi32, #tpu.memory_space<hbm>>, %arg7: memref<16777216xf32, #tpu.memory_space<hbm>>, %arg8: memref<16384xf32, #tpu.memory_space<vmem>>, %arg9: memref<16384xf32, #tpu.memory_space<vmem>>, %arg10: memref<16384xf32, #tpu.memory_space<vmem>>, %arg11: memref<16384xf32, #tpu.memory_space<vmem>>, %arg12: memref<16xi32, #tpu.memory_space<vmem>>, %arg13: memref<16xi32, #tpu.memory_space<vmem>>, %arg14: memref<16xi32, #tpu.memory_space<vmem>>, %arg15: memref<16xi32, #tpu.memory_space<vmem>>, %arg16: memref<!tpu.dma_semaphore, #tpu.memory_space<semaphore_mem>>, %arg17: memref<!tpu.dma_semaphore, #tpu.memory_space<semaphore_mem>>, %arg18: memref<!tpu.dma_semaphore, #tpu.memory_space<semaphore_mem>>, %arg19: memref<!tpu.dma_semaphore, #tpu.memory_space<semaphore_mem>>) attributes {dimension_semantics = [#tpu.dimension_semantics<core_parallel>, #tpu.dimension_semantics<subcore_parallel>], iteration_bounds = array<i64: 2, 16>, scalar_prefetch = 0 : i64, scratch_operands = 12 : i64, tpu.core_type = #tpu.core_type<sc_vector_subcore>, window_params = [{transform_indices = #map}, {transform_indices = #map}, {transform_indices = #map}, {transform_indices = #map}, {transform_indices = #map}, {transform_indices = #map}]} {
    %mul3A = arith.constant 2 : i32
    %mul3A_0 = arith.muli %arg1, %mul3A : i32
    %add3A = arith.addi %mul3A_0, %arg0 : i32
    %mul3A_1 = arith.constant 524288 : i32
    %mul3A_2 = arith.muli %add3A, %mul3A_1 : i32
    "tpu.region"() ({
      %run_scoped3A = tpu.sem_alloc : memref<!tpu.dma_semaphore, #tpu.memory_space<semaphore_mem>>
      tpu.enqueue_dma source(%arg3 : memref<16xi32, #tpu.memory_space<hbm>>) target(%arg12 : memref<16xi32, #tpu.memory_space<vmem>>) target_semaphore(%run_scoped3A : memref<!tpu.dma_semaphore, #tpu.memory_space<semaphore_mem>>)
      tpu.wait_dma2 semaphore(%run_scoped3A : memref<!tpu.dma_semaphore, #tpu.memory_space<semaphore_mem>>) src(%arg3 : memref<16xi32, #tpu.memory_space<hbm>>) dst(%arg12 : memref<16xi32, #tpu.memory_space<vmem>>)
      tpu.yield
    }) : () -> ()
    "tpu.region"() ({
      %run_scoped3A = tpu.sem_alloc : memref<!tpu.dma_semaphore, #tpu.memory_space<semaphore_mem>>
      tpu.enqueue_dma source(%arg4 : memref<16xi32, #tpu.memory_space<hbm>>) target(%arg13 : memref<16xi32, #tpu.memory_space<vmem>>) target_semaphore(%run_scoped3A : memref<!tpu.dma_semaphore, #tpu.memory_space<semaphore_mem>>)
      tpu.wait_dma2 semaphore(%run_scoped3A : memref<!tpu.dma_semaphore, #tpu.memory_space<semaphore_mem>>) src(%arg4 : memref<16xi32, #tpu.memory_space<hbm>>) dst(%arg13 : memref<16xi32, #tpu.memory_space<vmem>>)
      tpu.yield
    }) : () -> ()
    "tpu.region"() ({
      %run_scoped3A = tpu.sem_alloc : memref<!tpu.dma_semaphore, #tpu.memory_space<semaphore_mem>>
      tpu.enqueue_dma source(%arg5 : memref<16xi32, #tpu.memory_space<hbm>>) target(%arg14 : memref<16xi32, #tpu.memory_space<vmem>>) target_semaphore(%run_scoped3A : memref<!tpu.dma_semaphore, #tpu.memory_space<semaphore_mem>>)
      tpu.wait_dma2 semaphore(%run_scoped3A : memref<!tpu.dma_semaphore, #tpu.memory_space<semaphore_mem>>) src(%arg5 : memref<16xi32, #tpu.memory_space<hbm>>) dst(%arg14 : memref<16xi32, #tpu.memory_space<vmem>>)
      tpu.yield
    }) : () -> ()
    "tpu.region"() ({
      %run_scoped3A = tpu.sem_alloc : memref<!tpu.dma_semaphore, #tpu.memory_space<semaphore_mem>>
      tpu.enqueue_dma source(%arg6 : memref<16xi32, #tpu.memory_space<hbm>>) target(%arg15 : memref<16xi32, #tpu.memory_space<vmem>>) target_semaphore(%run_scoped3A : memref<!tpu.dma_semaphore, #tpu.memory_space<semaphore_mem>>)
      tpu.wait_dma2 semaphore(%run_scoped3A : memref<!tpu.dma_semaphore, #tpu.memory_space<semaphore_mem>>) src(%arg6 : memref<16xi32, #tpu.memory_space<hbm>>) dst(%arg15 : memref<16xi32, #tpu.memory_space<vmem>>)
      tpu.yield
    }) : () -> ()
    %dma_start3A = tpu.memref_slice %arg2[%mul3A_2] : memref<16777216xf32, #tpu.memory_space<hbm>> -> memref<16384xf32, #tpu.memory_space<hbm>>
    %dma_start3A_3 = tpu.memref_slice %arg2[%mul3A_2] : memref<16777216xf32, #tpu.memory_space<hbm>> -> memref<16384xf32, #tpu.memory_space<hbm>>
    tpu.enqueue_dma source(%dma_start3A_3 : memref<16384xf32, #tpu.memory_space<hbm>>) target(%arg8 : memref<16384xf32, #tpu.memory_space<vmem>>) target_semaphore(%arg16 : memref<!tpu.dma_semaphore, #tpu.memory_space<semaphore_mem>>)
    %add3A_4 = arith.constant 16384 : i32
    %add3A_5 = arith.addi %mul3A_2, %add3A_4 : i32
    %dma_start3A_6 = tpu.memref_slice %arg2[%add3A_5] : memref<16777216xf32, #tpu.memory_space<hbm>> -> memref<16384xf32, #tpu.memory_space<hbm>>
    %dma_start3A_7 = tpu.memref_slice %arg2[%add3A_5] : memref<16777216xf32, #tpu.memory_space<hbm>> -> memref<16384xf32, #tpu.memory_space<hbm>>
    tpu.enqueue_dma source(%dma_start3A_7 : memref<16384xf32, #tpu.memory_space<hbm>>) target(%arg9 : memref<16384xf32, #tpu.memory_space<vmem>>) target_semaphore(%arg17 : memref<!tpu.dma_semaphore, #tpu.memory_space<semaphore_mem>>)
    %scan3A = arith.constant 0 : i32
    %scan3A_8 = arith.constant 16 : i32
    %scan3A_9 = arith.addi %scan3A, %scan3A_8 : i32
    %scan3A_10 = arith.constant 1 : i32
    scf.for %scan3A_19 = %scan3A to %scan3A_9 step %scan3A_10  : i32 {
      %mul3A_20 = arith.constant 2 : i32
      %mul3A_21 = arith.muli %scan3A_19, %mul3A_20 : i32
      %add3A_22 = arith.constant 0 : i32
      %add3A_23 = arith.addi %add3A_22, %mul3A_21 : i32
      %add3A_24 = arith.constant 0 : i32
      %add3A_25 = arith.addi %add3A_23, %add3A_24 : i32
      %mul3A_26 = arith.constant 16384 : i32
      %mul3A_27 = arith.muli %add3A_25, %mul3A_26 : i32
      %add3A_28 = arith.addi %mul3A_2, %mul3A_27 : i32
      %dma_wait3A_29 = tpu.memref_slice %arg2[%add3A_28] : memref<16777216xf32, #tpu.memory_space<hbm>> -> memref<16384xf32, #tpu.memory_space<hbm>>
      %dma_wait3A_30 = tpu.memref_slice %arg2[%add3A_28] : memref<16777216xf32, #tpu.memory_space<hbm>> -> memref<16384xf32, #tpu.memory_space<hbm>>
      tpu.wait_dma2 semaphore(%arg16 : memref<!tpu.dma_semaphore, #tpu.memory_space<semaphore_mem>>) src(%dma_wait3A_30 : memref<16384xf32, #tpu.memory_space<hbm>>) dst(%arg8 : memref<16384xf32, #tpu.memory_space<vmem>>)
      %ge3A = arith.constant 2 : i32
      %ge3A_31 = arith.cmpi sge, %add3A_25, %ge3A : i32
      %convert_element_type3A = arith.extui %ge3A_31 : i1 to i32
      %cond3A = arith.constant 0 : i32
      %cond3A_32 = arith.cmpi ne, %convert_element_type3A, %cond3A : i32
      scf.if %cond3A_32 {
        %sub3A = arith.constant 32768 : i32
        %sub3A_67 = arith.subi %add3A_28, %sub3A : i32
        %dma_wait3A_68 = tpu.memref_slice %arg7[%sub3A_67] : memref<16777216xf32, #tpu.memory_space<hbm>> -> memref<16384xf32, #tpu.memory_space<hbm>>
        %dma_wait3A_69 = tpu.memref_slice %arg7[%sub3A_67] : memref<16777216xf32, #tpu.memory_space<hbm>> -> memref<16384xf32, #tpu.memory_space<hbm>>
        tpu.wait_dma2 semaphore(%arg18 : memref<!tpu.dma_semaphore, #tpu.memory_space<semaphore_mem>>) src(%arg10 : memref<16384xf32, #tpu.memory_space<vmem>>) dst(%dma_wait3A_69 : memref<16384xf32, #tpu.memory_space<hbm>>)
      } else {
      }
      %parallel_loop3A = arith.constant 0 : i32
      %parallel_loop3A_33 = arith.constant 1024 : i32
      %parallel_loop3A_34 = arith.constant 1 : i32
      scf.for %parallel_loop3A_67 = %parallel_loop3A to %parallel_loop3A_33 step %parallel_loop3A_34  : i32 {
        %parallel_loop3A_68 = arith.constant 16 : i32
        %parallel_loop3A_69 = arith.muli %parallel_loop3A_67, %parallel_loop3A_68 : i32
        %parallel_loop3A_70 = arith.index_cast %parallel_loop3A_69 : i32 to index
        %parallel_loop3A_71 = tpu.vector_load %arg8[%parallel_loop3A_70] {strides = array<i32>} : memref<16384xf32, #tpu.memory_space<vmem>>, vector<16xf32>,
        %parallel_loop3A_72 = arith.constant 6.553600e+04 : f32
        %parallel_loop3A_73 = vector.broadcast %parallel_loop3A_72 : f32 to vector<16xf32>
        %parallel_loop3A_74 = arith.mulf %parallel_loop3A_71, %parallel_loop3A_73 : vector<16xf32>
        %parallel_loop3A_75 = arith.fptosi %parallel_loop3A_74 : vector<16xf32> to vector<16xi32>
        %parallel_loop3A_76 = arith.constant 0 : i32
        %parallel_loop3A_77 = vector.broadcast %parallel_loop3A_76 : i32 to vector<16xi32>
        %parallel_loop3A_78 = arith.constant 7 : i32
        %parallel_loop3A_79 = vector.broadcast %parallel_loop3A_78 : i32 to vector<16xi32>
        %parallel_loop3A_80 = arith.addi %parallel_loop3A_77, %parallel_loop3A_79 : vector<16xi32>
        %parallel_loop3A_81 = tpu.vector_load_idx %arg12[%parallel_loop3A_80] : memref<16xi32, #tpu.memory_space<vmem>>[vector<16xi32>], vector<16xi32>,
        %parallel_loop3A_82 = arith.cmpi sle, %parallel_loop3A_81, %parallel_loop3A_75 : vector<16xi32>
        %parallel_loop3A_83 = arith.constant 8 : i32
        %parallel_loop3A_84 = vector.broadcast %parallel_loop3A_83 : i32 to vector<16xi32>
        %parallel_loop3A_85 = arith.addi %parallel_loop3A_77, %parallel_loop3A_84 : vector<16xi32>
        %parallel_loop3A_86 = arith.select %parallel_loop3A_82, %parallel_loop3A_85, %parallel_loop3A_77 : vector<16xi1>, vector<16xi32>
        %parallel_loop3A_87 = arith.constant 3 : i32
        %parallel_loop3A_88 = vector.broadcast %parallel_loop3A_87 : i32 to vector<16xi32>
        %parallel_loop3A_89 = arith.addi %parallel_loop3A_86, %parallel_loop3A_88 : vector<16xi32>
        %parallel_loop3A_90 = tpu.vector_load_idx %arg12[%parallel_loop3A_89] : memref<16xi32, #tpu.memory_space<vmem>>[vector<16xi32>], vector<16xi32>,
        %parallel_loop3A_91 = arith.cmpi sle, %parallel_loop3A_90, %parallel_loop3A_75 : vector<16xi32>
        %parallel_loop3A_92 = arith.constant 4 : i32
        %parallel_loop3A_93 = vector.broadcast %parallel_loop3A_92 : i32 to vector<16xi32>
        %parallel_loop3A_94 = arith.addi %parallel_loop3A_86, %parallel_loop3A_93 : vector<16xi32>
        %parallel_loop3A_95 = arith.select %parallel_loop3A_91, %parallel_loop3A_94, %parallel_loop3A_86 : vector<16xi1>, vector<16xi32>
        %parallel_loop3A_96 = arith.constant 1 : i32
        %parallel_loop3A_97 = vector.broadcast %parallel_loop3A_96 : i32 to vector<16xi32>
        %parallel_loop3A_98 = arith.addi %parallel_loop3A_95, %parallel_loop3A_97 : vector<16xi32>
        %parallel_loop3A_99 = tpu.vector_load_idx %arg12[%parallel_loop3A_98] : memref<16xi32, #tpu.memory_space<vmem>>[vector<16xi32>], vector<16xi32>,
        %parallel_loop3A_100 = arith.cmpi sle, %parallel_loop3A_99, %parallel_loop3A_75 : vector<16xi32>
        %parallel_loop3A_101 = arith.constant 2 : i32
        %parallel_loop3A_102 = vector.broadcast %parallel_loop3A_101 : i32 to vector<16xi32>
        %parallel_loop3A_103 = arith.addi %parallel_loop3A_95, %parallel_loop3A_102 : vector<16xi32>
        %parallel_loop3A_104 = arith.select %parallel_loop3A_100, %parallel_loop3A_103, %parallel_loop3A_95 : vector<16xi1>, vector<16xi32>
        %parallel_loop3A_105 = arith.constant 0 : i32
        %parallel_loop3A_106 = vector.broadcast %parallel_loop3A_105 : i32 to vector<16xi32>
        %parallel_loop3A_107 = arith.addi %parallel_loop3A_104, %parallel_loop3A_106 : vector<16xi32>
        %parallel_loop3A_108 = tpu.vector_load_idx %arg12[%parallel_loop3A_107] : memref<16xi32, #tpu.memory_space<vmem>>[vector<16xi32>], vector<16xi32>,
        %parallel_loop3A_109 = arith.cmpi sle, %parallel_loop3A_108, %parallel_loop3A_75 : vector<16xi32>
        %parallel_loop3A_110 = arith.constant 1 : i32
        %parallel_loop3A_111 = vector.broadcast %parallel_loop3A_110 : i32 to vector<16xi32>
        %parallel_loop3A_112 = arith.addi %parallel_loop3A_104, %parallel_loop3A_111 : vector<16xi32>
        %parallel_loop3A_113 = arith.select %parallel_loop3A_109, %parallel_loop3A_112, %parallel_loop3A_104 : vector<16xi1>, vector<16xi32>
        %parallel_loop3A_114 = tpu.vector_load_idx %arg13[%parallel_loop3A_113] : memref<16xi32, #tpu.memory_space<vmem>>[vector<16xi32>], vector<16xi32>,
        %parallel_loop3A_115 = tpu.vector_load_idx %arg14[%parallel_loop3A_113] : memref<16xi32, #tpu.memory_space<vmem>>[vector<16xi32>], vector<16xi32>,
        %parallel_loop3A_116 = tpu.vector_load_idx %arg15[%parallel_loop3A_113] : memref<16xi32, #tpu.memory_space<vmem>>[vector<16xi32>], vector<16xi32>,
        %parallel_loop3A_117 = arith.shrsi %parallel_loop3A_75, %parallel_loop3A_116 : vector<16xi32>
        %parallel_loop3A_118 = arith.muli %parallel_loop3A_115, %parallel_loop3A_117 : vector<16xi32>
        %parallel_loop3A_119 = arith.addi %parallel_loop3A_114, %parallel_loop3A_118 : vector<16xi32>
        %parallel_loop3A_120 = arith.sitofp %parallel_loop3A_119 : vector<16xi32> to vector<16xf32>
        %parallel_loop3A_121 = arith.constant 1.52587891E-5 : f32
        %parallel_loop3A_122 = vector.broadcast %parallel_loop3A_121 : f32 to vector<16xf32>
        %parallel_loop3A_123 = arith.mulf %parallel_loop3A_120, %parallel_loop3A_122 : vector<16xf32>
        %parallel_loop3A_124 = arith.index_cast %parallel_loop3A_69 : i32 to index
        %parallel_loop3A_125 = tpu.vector_load %arg10[%parallel_loop3A_124] {strides = array<i32>} : memref<16384xf32, #tpu.memory_space<vmem>>, vector<16xf32>,
        tpu.vector_store %arg10[%parallel_loop3A_124], %parallel_loop3A_123 {strides = array<i32>} : memref<16384xf32, #tpu.memory_space<vmem>>, vector<16xf32>,
      } {sc.loop_unroll_factor = 16 : i64, sc.parallel_access}
      %dma_start3A_35 = tpu.memref_slice %arg7[%add3A_28] : memref<16777216xf32, #tpu.memory_space<hbm>> -> memref<16384xf32, #tpu.memory_space<hbm>>
      %dma_start3A_36 = tpu.memref_slice %arg7[%add3A_28] : memref<16777216xf32, #tpu.memory_space<hbm>> -> memref<16384xf32, #tpu.memory_space<hbm>>
      tpu.enqueue_dma source(%arg10 : memref<16384xf32, #tpu.memory_space<vmem>>) target(%dma_start3A_36 : memref<16384xf32, #tpu.memory_space<hbm>>) target_semaphore(%arg18 : memref<!tpu.dma_semaphore, #tpu.memory_space<semaphore_mem>>)
      %add3A_37 = arith.constant 2 : i32
      %add3A_38 = arith.addi %add3A_25, %add3A_37 : i32
      %lt3A = arith.constant 32 : i32
      %lt3A_39 = arith.cmpi slt, %add3A_38, %lt3A : i32
      %convert_element_type3A_40 = arith.extui %lt3A_39 : i1 to i32
      %cond3A_41 = arith.constant 0 : i32
      %cond3A_42 = arith.cmpi ne, %convert_element_type3A_40, %cond3A_41 : i32
      scf.if %cond3A_42 {
        %add3A_67 = arith.constant 32768 : i32
        %add3A_68 = arith.addi %add3A_28, %add3A_67 : i32
        %dma_start3A_69 = tpu.memref_slice %arg2[%add3A_68] : memref<16777216xf32, #tpu.memory_space<hbm>> -> memref<16384xf32, #tpu.memory_space<hbm>>
        %dma_start3A_70 = tpu.memref_slice %arg2[%add3A_68] : memref<16777216xf32, #tpu.memory_space<hbm>> -> memref<16384xf32, #tpu.memory_space<hbm>>
        tpu.enqueue_dma source(%dma_start3A_70 : memref<16384xf32, #tpu.memory_space<hbm>>) target(%arg8 : memref<16384xf32, #tpu.memory_space<vmem>>) target_semaphore(%arg16 : memref<!tpu.dma_semaphore, #tpu.memory_space<semaphore_mem>>)
      } else {
      }
      %add3A_43 = arith.constant 1 : i32
      %add3A_44 = arith.addi %add3A_23, %add3A_43 : i32
      %mul3A_45 = arith.constant 16384 : i32
      %mul3A_46 = arith.muli %add3A_44, %mul3A_45 : i32
      %add3A_47 = arith.addi %mul3A_2, %mul3A_46 : i32
      %dma_wait3A_48 = tpu.memref_slice %arg2[%add3A_47] : memref<16777216xf32, #tpu.memory_space<hbm>> -> memref<16384xf32, #tpu.memory_space<hbm>>
      %dma_wait3A_49 = tpu.memref_slice %arg2[%add3A_47] : memref<16777216xf32, #tpu.memory_space<hbm>> -> memref<16384xf32, #tpu.memory_space<hbm>>
      tpu.wait_dma2 semaphore(%arg17 : memref<!tpu.dma_semaphore, #tpu.memory_space<semaphore_mem>>) src(%dma_wait3A_49 : memref<16384xf32, #tpu.memory_space<hbm>>) dst(%arg9 : memref<16384xf32, #tpu.memory_space<vmem>>)
      %ge3A_50 = arith.constant 2 : i32
      %ge3A_51 = arith.cmpi sge, %add3A_44, %ge3A_50 : i32
      %convert_element_type3A_52 = arith.extui %ge3A_51 : i1 to i32
      %cond3A_53 = arith.constant 0 : i32
      %cond3A_54 = arith.cmpi ne, %convert_element_type3A_52, %cond3A_53 : i32
      scf.if %cond3A_54 {
        %sub3A = arith.constant 32768 : i32
        %sub3A_67 = arith.subi %add3A_47, %sub3A : i32
        %dma_wait3A_68 = tpu.memref_slice %arg7[%sub3A_67] : memref<16777216xf32, #tpu.memory_space<hbm>> -> memref<16384xf32, #tpu.memory_space<hbm>>
        %dma_wait3A_69 = tpu.memref_slice %arg7[%sub3A_67] : memref<16777216xf32, #tpu.memory_space<hbm>> -> memref<16384xf32, #tpu.memory_space<hbm>>
        tpu.wait_dma2 semaphore(%arg19 : memref<!tpu.dma_semaphore, #tpu.memory_space<semaphore_mem>>) src(%arg11 : memref<16384xf32, #tpu.memory_space<vmem>>) dst(%dma_wait3A_69 : memref<16384xf32, #tpu.memory_space<hbm>>)
      } else {
      }
      %parallel_loop3A_55 = arith.constant 0 : i32
      %parallel_loop3A_56 = arith.constant 1024 : i32
      %parallel_loop3A_57 = arith.constant 1 : i32
      scf.for %parallel_loop3A_67 = %parallel_loop3A_55 to %parallel_loop3A_56 step %parallel_loop3A_57  : i32 {
        %parallel_loop3A_68 = arith.constant 16 : i32
        %parallel_loop3A_69 = arith.muli %parallel_loop3A_67, %parallel_loop3A_68 : i32
        %parallel_loop3A_70 = arith.index_cast %parallel_loop3A_69 : i32 to index
        %parallel_loop3A_71 = tpu.vector_load %arg9[%parallel_loop3A_70] {strides = array<i32>} : memref<16384xf32, #tpu.memory_space<vmem>>, vector<16xf32>,
        %parallel_loop3A_72 = arith.constant 6.553600e+04 : f32
        %parallel_loop3A_73 = vector.broadcast %parallel_loop3A_72 : f32 to vector<16xf32>
        %parallel_loop3A_74 = arith.mulf %parallel_loop3A_71, %parallel_loop3A_73 : vector<16xf32>
        %parallel_loop3A_75 = arith.fptosi %parallel_loop3A_74 : vector<16xf32> to vector<16xi32>
        %parallel_loop3A_76 = arith.constant 0 : i32
        %parallel_loop3A_77 = vector.broadcast %parallel_loop3A_76 : i32 to vector<16xi32>
        %parallel_loop3A_78 = arith.constant 7 : i32
        %parallel_loop3A_79 = vector.broadcast %parallel_loop3A_78 : i32 to vector<16xi32>
        %parallel_loop3A_80 = arith.addi %parallel_loop3A_77, %parallel_loop3A_79 : vector<16xi32>
        %parallel_loop3A_81 = tpu.vector_load_idx %arg12[%parallel_loop3A_80] : memref<16xi32, #tpu.memory_space<vmem>>[vector<16xi32>], vector<16xi32>,
        %parallel_loop3A_82 = arith.cmpi sle, %parallel_loop3A_81, %parallel_loop3A_75 : vector<16xi32>
        %parallel_loop3A_83 = arith.constant 8 : i32
        %parallel_loop3A_84 = vector.broadcast %parallel_loop3A_83 : i32 to vector<16xi32>
        %parallel_loop3A_85 = arith.addi %parallel_loop3A_77, %parallel_loop3A_84 : vector<16xi32>
        %parallel_loop3A_86 = arith.select %parallel_loop3A_82, %parallel_loop3A_85, %parallel_loop3A_77 : vector<16xi1>, vector<16xi32>
        %parallel_loop3A_87 = arith.constant 3 : i32
        %parallel_loop3A_88 = vector.broadcast %parallel_loop3A_87 : i32 to vector<16xi32>
        %parallel_loop3A_89 = arith.addi %parallel_loop3A_86, %parallel_loop3A_88 : vector<16xi32>
        %parallel_loop3A_90 = tpu.vector_load_idx %arg12[%parallel_loop3A_89] : memref<16xi32, #tpu.memory_space<vmem>>[vector<16xi32>], vector<16xi32>,
        %parallel_loop3A_91 = arith.cmpi sle, %parallel_loop3A_90, %parallel_loop3A_75 : vector<16xi32>
        %parallel_loop3A_92 = arith.constant 4 : i32
        %parallel_loop3A_93 = vector.broadcast %parallel_loop3A_92 : i32 to vector<16xi32>
        %parallel_loop3A_94 = arith.addi %parallel_loop3A_86, %parallel_loop3A_93 : vector<16xi32>
        %parallel_loop3A_95 = arith.select %parallel_loop3A_91, %parallel_loop3A_94, %parallel_loop3A_86 : vector<16xi1>, vector<16xi32>
        %parallel_loop3A_96 = arith.constant 1 : i32
        %parallel_loop3A_97 = vector.broadcast %parallel_loop3A_96 : i32 to vector<16xi32>
        %parallel_loop3A_98 = arith.addi %parallel_loop3A_95, %parallel_loop3A_97 : vector<16xi32>
        %parallel_loop3A_99 = tpu.vector_load_idx %arg12[%parallel_loop3A_98] : memref<16xi32, #tpu.memory_space<vmem>>[vector<16xi32>], vector<16xi32>,
        %parallel_loop3A_100 = arith.cmpi sle, %parallel_loop3A_99, %parallel_loop3A_75 : vector<16xi32>
        %parallel_loop3A_101 = arith.constant 2 : i32
        %parallel_loop3A_102 = vector.broadcast %parallel_loop3A_101 : i32 to vector<16xi32>
        %parallel_loop3A_103 = arith.addi %parallel_loop3A_95, %parallel_loop3A_102 : vector<16xi32>
        %parallel_loop3A_104 = arith.select %parallel_loop3A_100, %parallel_loop3A_103, %parallel_loop3A_95 : vector<16xi1>, vector<16xi32>
        %parallel_loop3A_105 = arith.constant 0 : i32
        %parallel_loop3A_106 = vector.broadcast %parallel_loop3A_105 : i32 to vector<16xi32>
        %parallel_loop3A_107 = arith.addi %parallel_loop3A_104, %parallel_loop3A_106 : vector<16xi32>
        %parallel_loop3A_108 = tpu.vector_load_idx %arg12[%parallel_loop3A_107] : memref<16xi32, #tpu.memory_space<vmem>>[vector<16xi32>], vector<16xi32>,
        %parallel_loop3A_109 = arith.cmpi sle, %parallel_loop3A_108, %parallel_loop3A_75 : vector<16xi32>
        %parallel_loop3A_110 = arith.constant 1 : i32
        %parallel_loop3A_111 = vector.broadcast %parallel_loop3A_110 : i32 to vector<16xi32>
        %parallel_loop3A_112 = arith.addi %parallel_loop3A_104, %parallel_loop3A_111 : vector<16xi32>
        %parallel_loop3A_113 = arith.select %parallel_loop3A_109, %parallel_loop3A_112, %parallel_loop3A_104 : vector<16xi1>, vector<16xi32>
        %parallel_loop3A_114 = tpu.vector_load_idx %arg13[%parallel_loop3A_113] : memref<16xi32, #tpu.memory_space<vmem>>[vector<16xi32>], vector<16xi32>,
        %parallel_loop3A_115 = tpu.vector_load_idx %arg14[%parallel_loop3A_113] : memref<16xi32, #tpu.memory_space<vmem>>[vector<16xi32>], vector<16xi32>,
        %parallel_loop3A_116 = tpu.vector_load_idx %arg15[%parallel_loop3A_113] : memref<16xi32, #tpu.memory_space<vmem>>[vector<16xi32>], vector<16xi32>,
        %parallel_loop3A_117 = arith.shrsi %parallel_loop3A_75, %parallel_loop3A_116 : vector<16xi32>
        %parallel_loop3A_118 = arith.muli %parallel_loop3A_115, %parallel_loop3A_117 : vector<16xi32>
        %parallel_loop3A_119 = arith.addi %parallel_loop3A_114, %parallel_loop3A_118 : vector<16xi32>
        %parallel_loop3A_120 = arith.sitofp %parallel_loop3A_119 : vector<16xi32> to vector<16xf32>
        %parallel_loop3A_121 = arith.constant 1.52587891E-5 : f32
        %parallel_loop3A_122 = vector.broadcast %parallel_loop3A_121 : f32 to vector<16xf32>
        %parallel_loop3A_123 = arith.mulf %parallel_loop3A_120, %parallel_loop3A_122 : vector<16xf32>
        %parallel_loop3A_124 = arith.index_cast %parallel_loop3A_69 : i32 to index
        %parallel_loop3A_125 = tpu.vector_load %arg11[%parallel_loop3A_124] {strides = array<i32>} : memref<16384xf32, #tpu.memory_space<vmem>>, vector<16xf32>,
        tpu.vector_store %arg11[%parallel_loop3A_124], %parallel_loop3A_123 {strides = array<i32>} : memref<16384xf32, #tpu.memory_space<vmem>>, vector<16xf32>,
      } {sc.loop_unroll_factor = 16 : i64, sc.parallel_access}
      %dma_start3A_58 = tpu.memref_slice %arg7[%add3A_47] : memref<16777216xf32, #tpu.memory_space<hbm>> -> memref<16384xf32, #tpu.memory_space<hbm>>
      %dma_start3A_59 = tpu.memref_slice %arg7[%add3A_47] : memref<16777216xf32, #tpu.memory_space<hbm>> -> memref<16384xf32, #tpu.memory_space<hbm>>
      tpu.enqueue_dma source(%arg11 : memref<16384xf32, #tpu.memory_space<vmem>>) target(%dma_start3A_59 : memref<16384xf32, #tpu.memory_space<hbm>>) target_semaphore(%arg19 : memref<!tpu.dma_semaphore, #tpu.memory_space<semaphore_mem>>)
      %add3A_60 = arith.constant 2 : i32
      %add3A_61 = arith.addi %add3A_44, %add3A_60 : i32
      %lt3A_62 = arith.constant 32 : i32
      %lt3A_63 = arith.cmpi slt, %add3A_61, %lt3A_62 : i32
      %convert_element_type3A_64 = arith.extui %lt3A_63 : i1 to i32
      %cond3A_65 = arith.constant 0 : i32
      %cond3A_66 = arith.cmpi ne, %convert_element_type3A_64, %cond3A_65 : i32
      scf.if %cond3A_66 {
        %add3A_67 = arith.constant 32768 : i32
        %add3A_68 = arith.addi %add3A_47, %add3A_67 : i32
        %dma_start3A_69 = tpu.memref_slice %arg2[%add3A_68] : memref<16777216xf32, #tpu.memory_space<hbm>> -> memref<16384xf32, #tpu.memory_space<hbm>>
        %dma_start3A_70 = tpu.memref_slice %arg2[%add3A_68] : memref<16777216xf32, #tpu.memory_space<hbm>> -> memref<16384xf32, #tpu.memory_space<hbm>>
        tpu.enqueue_dma source(%dma_start3A_70 : memref<16384xf32, #tpu.memory_space<hbm>>) target(%arg9 : memref<16384xf32, #tpu.memory_space<vmem>>) target_semaphore(%arg17 : memref<!tpu.dma_semaphore, #tpu.memory_space<semaphore_mem>>)
      } else {
      }
    }
    %scan3A_11 = arith.constant 16 : i32
    %add3A_12 = arith.constant 491520 : i32
    %add3A_13 = arith.addi %mul3A_2, %add3A_12 : i32
    %dma_wait3A = tpu.memref_slice %arg7[%add3A_13] : memref<16777216xf32, #tpu.memory_space<hbm>> -> memref<16384xf32, #tpu.memory_space<hbm>>
    %dma_wait3A_14 = tpu.memref_slice %arg7[%add3A_13] : memref<16777216xf32, #tpu.memory_space<hbm>> -> memref<16384xf32, #tpu.memory_space<hbm>>
    tpu.wait_dma2 semaphore(%arg18 : memref<!tpu.dma_semaphore, #tpu.memory_space<semaphore_mem>>) src(%arg10 : memref<16384xf32, #tpu.memory_space<vmem>>) dst(%dma_wait3A_14 : memref<16384xf32, #tpu.memory_space<hbm>>)
    %add3A_15 = arith.constant 507904 : i32
    %add3A_16 = arith.addi %mul3A_2, %add3A_15 : i32
    %dma_wait3A_17 = tpu.memref_slice %arg7[%add3A_16] : memref<16777216xf32, #tpu.memory_space<hbm>> -> memref<16384xf32, #tpu.memory_space<hbm>>
    %dma_wait3A_18 = tpu.memref_slice %arg7[%add3A_16] : memref<16777216xf32, #tpu.memory_space<hbm>> -> memref<16384xf32, #tpu.memory_space<hbm>>
    tpu.wait_dma2 semaphore(%arg19 : memref<!tpu.dma_semaphore, #tpu.memory_space<semaphore_mem>>) src(%arg11 : memref<16384xf32, #tpu.memory_space<vmem>>) dst(%dma_wait3A_18 : memref<16384xf32, #tpu.memory_space<hbm>>)
    return
  }
}

</mosaic_0001>

<sc_bundles>
// kernel: kernel.3.cloned.1.call-start
scs
__scs_entry_jumppad:
0x0: {  	(pc) =	sbr.rel $0x88, $3  }
0x1: {  	(tag) =	ssettag $0x0;
	lr =	simm.s32 $0x1  }
0x2: {  	[smem:$0x3F9C] =	sst lr;
	_ =	strace $0xD0000000  }
0x3: {  	_ = 	snop  }
0x4: {  	_ = 	snop  }
0x5: {  	_ = 	snop  }
0x6: {  	_ = 	snop  }
0x7: {  	_ = 	snop  }
__scs_overlays_trampoline_lowered:
0x8: {  	[smem:$0x3FAB] =	sst s0  }
0x9: {  	[smem:$0x3FAC] =	sst s1  }
0xa: {  	[smem:$0x3FAD] =	sst s2  }
0xb: {  	[smem:$0x3FAE] =	sst s3  }
0xc: {  	[smem:$0x3FAF] =	sst s4  }
0xd: {  	[smem:$0x3FB0] =	sst s5  }
0xe: {  	[smem:$0x3FB1] =	sst s6  }
0xf: {  	[smem:$0x3FB2] =	sst s7  }
0x10: {  	[smem:$0x3FB3] =	sst s8  }
0x11: {  	[smem:$0x3FB4] =	sst s9;
	s0 =	simm.s32 @!p0 $0x0  }
0x12: {  	s1 =	sld [smem:$0x3F9A];
	s0 =	simm.s32 @p0 $0x1  }
0x13: {  	[smem:$0x3FB5] =	sst s0;
	s0 =	simm.s32 @!p1 $0x0  }
0x14: {  	s2 =	sld [smem:$0x3F99];
	s0 =	simm.s32 @p1 $0x1  }
0x15: {  	[smem:$0x3FB6] =	sst s0;
	s0 =	simm.s32 @!p2 $0x0  }
0x16: {  	s3 =	sld [smem:$0x3FDB];
	s0 =	simm.s32 @p2 $0x1  }
0x17: {  	s4 =	simm.s32 $0x1BF5;
	[smem:$0x3FB8] =	sst s0  }
0x18: {  	s0 =	sld [smem:$0x3F9B];
	_ =	swait.ge [sflag:s4], $0x0  }
0x19: {  	s7 =	sld [smem:$0x3F9C]  }
0x1a: {  	s8 =	sadd.s32 $0xFFFFE003, lr  }
0x1b: {  	s9 =	sadd.s32 $0xFFFFFEF7, lr;
	s5 =	simm.s32 $0xFFFFFFFF;
	p2 =	slt.u32 s8, $0xFFFFF086  }
0x1c: {  	p1 =	slt.u32 s9, $0xF7A;
	s5 =	simm.s32 @!p2 $0x0  }
0x1d: {  	s5 =	simm.s32 @p1 $0x1;
	p0 =	seq.s32 s7, s2  }
0x1e: {  	s7 =	smul.u32 @!p0 $0xF7A, s2;
	p2 =	seq.s32 @!p0 s5, $0x0  }
0x1f: {  	s9 =	smul.u32 $0xF7A, s1;
	s8 =	simm.s32 @!p0 $0x1BF5;
	p2 =	por !p2, p0  }
0x20: {  	[sflag:s8] =	ssyncset.s32 @!p0 $0xFFFFF086;
	s6 =	sadd.s32 @!p0 s3, s7;
	s7 =	simm.s32 @!p0 $0x108  }
0x21: {  	s3 =	sadd.s32 s3, s9;
	s6 =	sadd.s32 @!p0 $0x88, s6;
	s7 =	simm.s32 @p2 $0x1082  }
0x22: {  	[simem:s7], [sflag:s8] =	dma.local @!p0 [hbm:s6], $0xF7A  }
0x23: {  	s9 =	sor.u32 $0xD0000000, s2;
	s6 =	simm.s32 $0x108;
	_ =	swait.ge @!p0 [sflag:s8], $0x0  }
0x24: {  	s3 =	sadd.s32 $0x88, s3;
	s6 =	simm.s32 @!p1 $0x1082;
	[sflag:s4] =	ssyncset.s32 $0xFFFFF086  }
0x25: {  	[simem:s6], [sflag:s4] =	dma.local [hbm:s3], $0xF7A  }
0x26: {  	[smem:$0x3F9C] =	sst s1;
	(tag) =	ssettag s2;
	_ =	strace s9  }
0x27: {  	s1 =	sld [smem:$0x3FAC]  }
0x28: {  	s2 =	sld [smem:$0x3FAD]  }
0x29: {  	s4 =	sld [smem:$0x3FAF]  }
0x2a: {  	p0 =	seq.s32 s5, $0x0;
	s5 =	sld [smem:$0x3FB0]  }
0x2b: {  	s6 =	sld [smem:$0x3FB1]  }
0x2c: {  	s7 =	sld [smem:$0x3FB2]  }
0x2d: {  	s3 =	simm.s32 $0x108;
	s8 =	sld [smem:$0x3FB3]  }
0x2e: {  	s3 =	simm.s32 @!p0 $0x1082;
	s9 =	sld [smem:$0x3FB4]  }
0x2f: {  	lr =	sadd.s32 s0, s3;
	s0 =	sld [smem:$0x3FAB]  }
0x30: {  	s3 =	sld [smem:$0x3FAE]  }
0x31: {  	[smem:$0x3FB7] =	sst s10  }
0x32: {  	s10 =	sld [smem:$0x3FB5];
	_ =	sdelay $0x3  }
0x33: {  	p0 =	seq.s32 s10, $0x1;
	s10 =	sld [smem:$0x3FB7];
	_ =	sdelay $0x3  }
0x34: {  	[smem:$0x3FB7] =	sst s10  }
0x35: {  	s10 =	sld [smem:$0x3FB6];
	_ =	sdelay $0x3  }
0x36: {  	p1 =	seq.s32 s10, $0x1;
	s10 =	sld [smem:$0x3FB7];
	_ =	sdelay $0x3  }
0x37: {  	[smem:$0x3FB7] =	sst s10  }
0x38: {  	s10 =	sld [smem:$0x3FB8]  }
0x39: {  	_ = 	snop;
	(pc) =	sbr.ind lr, $3  }
0x3a: {  	_ = 	snop  }
0x3b: {  	_ = 	snop  }
0x3c: {  	p2 =	seq.s32 s10, $0x1;
	s10 =	sld [smem:$0x3FB7]  }
0x3d: {  	_ =	shalt  }
0x3e: {  	_ =	shalt  }
0x3f: {  	_ =	shalt  }
0x40: {  	_ =	shalt  }
0x41: {  	_ =	shalt  }
0x42: {  	_ =	shalt  }
0x43: {  	_ =	shalt  }
0x44: {  	_ =	shalt  }
0x45: {  	_ =	shalt  }
0x46: {  	_ =	shalt  }
0x47: {  	_ =	shalt  }
0x48: {  	_ =	shalt  }
0x49: {  	_ =	shalt  }
0x4a: {  	_ =	shalt  }
0x4b: {  	_ =	shalt  }
0x4c: {  	_ =	shalt  }
0x4d: {  	_ =	shalt  }
0x4e: {  	_ =	shalt  }
0x4f: {  	_ =	shalt  }
0x50: {  	_ =	shalt  }
0x51: {  	_ =	shalt  }
0x52: {  	_ =	shalt  }
0x53: {  	_ =	shalt  }
0x54: {  	_ =	shalt  }
0x55: {  	_ =	shalt  }
0x56: {  	_ =	shalt  }
0x57: {  	_ =	shalt  }
0x58: {  	_ =	shalt  }
0x59: {  	_ =	shalt  }
0x5a: {  	_ =	shalt  }
0x5b: {  	_ =	shalt  }
0x5c: {  	_ =	shalt  }
0x5d: {  	_ =	shalt  }
0x5e: {  	_ =	shalt  }
0x5f: {  	_ =	shalt  }
0x60: {  	_ =	shalt  }
0x61: {  	_ =	shalt  }
0x62: {  	_ =	shalt  }
0x63: {  	_ =	shalt  }
0x64: {  	_ =	shalt  }
0x65: {  	_ =	shalt  }
0x66: {  	_ =	shalt  }
0x67: {  	_ =	shalt  }
0x68: {  	_ =	shalt  }
0x69: {  	_ =	shalt  }
0x6a: {  	_ =	shalt  }
0x6b: {  	_ =	shalt  }
0x6c: {  	_ =	shalt  }
0x6d: {  	_ =	shalt  }
0x6e: {  	_ =	shalt  }
0x6f: {  	_ =	shalt  }
0x70: {  	_ =	shalt  }
0x71: {  	_ =	shalt  }
0x72: {  	_ =	shalt  }
0x73: {  	_ =	shalt  }
0x74: {  	_ =	shalt  }
0x75: {  	_ =	shalt  }
0x76: {  	_ =	shalt  }
0x77: {  	_ =	shalt  }
0x78: {  	_ =	shalt  }
0x79: {  	_ =	shalt  }
0x7a: {  	_ =	shalt  }
0x7b: {  	_ =	shalt  }
0x7c: {  	_ =	shalt  }
0x7d: {  	_ =	shalt  }
0x7e: {  	_ =	shalt  }
0x7f: {  	_ =	shalt  }
0x80: {  	_ =	shalt  }
0x81: {  	_ =	shalt  }
0x82: {  	_ =	shalt  }
0x83: {  	_ =	shalt  }
0x84: {  	_ =	shalt  }
0x85: {  	_ =	shalt  }
0x86: {  	_ =	shalt  }
0x87: {  	_ =	shalt  }
.Lfunc_end0:
.L_simem_size_0:
called_computation_lowered:
.L_overlay_start_0:
0x88: {  	s2 =	sld [smem:$0x3FD9]  }
0x89: {  	s3 =	sld [smem:$0x3FFE];
	_ =	sdelay $0x1  }
0x8a: {  	s1 =	srdreg.scid  }
0x8b: {  	s0 =	sand.u32 $0x1, s1  }
0x8c: {  	s17 =	sshll.u32 s0, $0xA;
	s2 =	sadd.s32 s3, s2  }
0x8d: {  	s2 =	sadd.s32 s2, s17  }
0x8e: {  	[smem:$0x3FC3] =	sst s2  }
0x8f: {  	_ = 	snop  }
0x90: {  	s2 =	sld [smem:$0x3FC9]  }
0x91: {  	s18 =	sld [smem:$0x3FC7]  }
0x92: {  	s4 =	sld [smem:$0x3FD0];
	(tm) =	ssettm $0x1  }
0x93: {  	s5 =	sld [smem:$0x3FFB];
	_ =	sdelay $0x3  }
0x94: {  	_ =	strace s5  }
0x95: {  	s5 =	sld [smem:$0x3FFC];
	_ =	sdelay $0x3  }
0x96: {  	_ =	strace s5  }
0x97: {  	s5 =	sld [smem:$0x3FFD];
	_ =	sdelay $0x3  }
0x98: {  	_ =	strace s5  }
0x99: {  	_ =	strace $0x8FFFFFFF  }
0x9a: {  	s19 =	sld [smem:$0x3FDB];
	_ =	sdelay $0x1  }
0x9b: {  	s6 =	simm.s32 $_scs_section_size  }
0x9c: {  	s7 =	simm.s32 $_size__tile_overlayer_lowered;
	s8 =	simm.s32 $_tile_overlayer_lowered  }
0x9d: {  	s22 =	simm.s32 $0x1BFF;
	s21 =	sshll.u32 s8, $0x1;
	s5 =	sadd.s32 s6, s19  }
0x9e: {  	s9 =	simm.s32 $0x0;
	s20 =	sshll.u32 s7, $0x1;
	s7 =	sadd.s32 s21, s5  }
0x9f: {  	[timem:s9], [sflag:s22] =	dma.local [hbm:s7], s20  }
0xa0: {  	_ =	swait.ge [sflag:s22], s20  }
0xa1: {  	s6 =	ssub.s32 $0x0, s20;
	[sflag:s22] =	ssyncset.done $0x0  }
0xa2: {  	[sflag:s22] =	ssyncadd.s32 s6;
	_ =	sdelay $0x1  }
0xa3: {  	s23 =	simm.s32 $0x1B8B  }
0xa4: {  	_ =	swait.ge [sflag:s23], $0x1  }
0xa5: {  	[sflag:s23] =	ssyncset.done $0x0  }
0xa6: {  	s25 =	simm.s32 $0x1B8E;
	s24 =	sld [smem:$0x3FFE];
	[sflag:s23] =	ssyncadd.s32 $0xFFFFFFFF  }
0xa7: {  	s26 =	simm.s32 $execute0_lowered;
	[smem:$0x3FD2] =	sst s25  }
0xa8: {  	s7 =	sshll.u32 s26, $0x1;
	_ =	strace $0x80000046;
	[dreg:$0x1] =	wrdreg $0xFFFFFFFF  }
0xa9: {  	s28 =	simm.s32 $_size_execute0_lowered;
	s5 =	sadd.s32 s5, s7;
	[dreg:$0x0] =	wrdreg $0x0  }
0xaa: {  	s7 =	sshll.u32 s28, $0x1;
	[dreg:$0x2] =	wrdreg s5  }
0xab: {  	[dreg:$0x3] =	wrdreg s7  }
0xac: {  	[dreg:$0x4] =	wrdreg $0xC0  }
0xad: {  	_ =	task [dreg:s9], $0x5FFFF  }
0xae: {  	[dreg:$0x1] =	wrdreg $0xFFFFFFFF  }
0xaf: {  	[dreg:$0x0] =	wrdreg $0x60  }
0xb0: {  	[dreg:$0x2] =	wrdreg s2  }
0xb1: {  	[dreg:$0x3] =	wrdreg s24  }
0xb2: {  	[dreg:$0x4] =	wrdreg s18  }
0xb3: {  	[dreg:$0x5] =	wrdreg s4  }
0xb4: {  	[dreg:$0x6] =	wrdreg $0x9  }
0xb5: {  	_ =	task.clear_ibuf [dreg:s9], $0x7FFFF;
	_ =	strace $0x90000046  }
0xb6: {  	s29 =	simm.s32 $0x9;
	_ =	strace $0x80000048  }
0xb7: {  	_ =	swait.ge [sflag:s29], $0x1  }
0xb8: {  	[sflag:s29] =	ssyncadd.s32 $0xFFFFFFFF  }
0xb9: {  	_ =	strace $0x90000048  }
0xba: {  	_ =	sfence  }
0xbb: {  	s30 =	sld [smem:$0x0];
	_ =	sdelay $0x2  }
0xbc: {  	s31 =	sshll.u32 s1, $0xD;
	s1 =	sshrl.u32 s1, $0x2  }
0xbd: {  	s3 =	sand.u32 $0x4000, s31;
	s1 =	sadd.s32 s1, s30  }
0xbe: {  	s0 =	sor.u32 s3, s0;
	s1 =	sshll.u32 s1, $0x11  }
0xbf: {  	s0 =	sor.u32 s1, s0  }
0xc0: {  	s0 =	sadd.s32 $0x8F2B, s0  }
0xc1: {  	[sflag:s0] =	ssyncadd.remote.s32 $0x1  }
0xc2: {  	_ =	sfence.sel $0xFFFF  }
0xc3: {  	[dreg:$0x0] =	wrdreg $0xFFFFFFFF;
	(pc) =	sbr.abs _section_cstart, $3  }
0xc4: {  	[dreg:$0x1] =	wrdreg $0xFFFFFFFF  }
0xc5: {  	_ =	task.clear_ibuf [dreg:s9], $0x2FFFF;
	_ =	strace $0x9FFFFFFF  }
0xc6: {  	(tm) =	ssettm $0x7FFFFFFF  }
0xc7: {  	_ =	shalt  }
tec
execute0_lowered:
.L_overlay_start_1:
0x0: {  	(tag) =	ssettag $0x1  }
0x1: {  	s1 =	rddreg [dreg:$0x0]  }
0x2: {  	s0 =	rddreg [dreg:$0x1]  }
0x3: {  	s2 =	rddreg [dreg:$0x2]  }
0x4: {  	s3 =	rddreg [dreg:$0x3]  }
0x5: {  	s5 =	simm.s32 $0x0;
	s6 =	srdreg.scid;
	s4 =	stileid.u32  }
0x6: {  	s13 =	simm.s32 $0x10000;
	s14 =	simm.s32 $0x5;
	s15 =	simm.s32 $0x10080  }
0x7: {  	s16 =	simm.s32 $0x10100;
	s17 =	simm.s32 $0x10180;
	s18 =	simm.s32 $0x4000  }
0x8: {  	s19 =	simm.s32 $0x1;
	s20 =	simm.s32 $0x8000;
	s21 =	simm.s32 $0x2  }
0x9: {  	s22 =	simm.s32 $0x4;
	s23 =	simm.s32 $0xC000;
	s24 =	simm.s32 $0x3  }
0xa: {  	s25 =	simm.s32 $0x0;
	[smem:$0x7FF] =	sst s5;
	s7 =	sand.u32 $0x1, s6  }
.Ltmp0:
0xb: {  	s8 =	sshll.u32 s4, $0x14;
	s9 =	sshll.u32 s7, $0x13;
	(pc) =	sbr.rel .LBB2_1-.Ltmp0, $4  }
0xc: {  	s6 =	sadd.s32 $0xA00, s0;
	s10 =	ssub.s32 $0x2, s7;
	s7 =	sor.u32 s9, s8  }
0xd: {  	_ =	strace $0x80000047;
	s11 =	sshrl.u32 s10, $0x1;
	s12 =	sshrl.u32 s7, $0x3  }
0xe: {  	s8 =	sadd.s32 $0x800, s0;
	s31 =	ssub.s32 s10, s11;
	s10 =	sadd.s32 s1, s12  }
0xf: {  	v61 =	vimm.s32 $0x7;
	s9 =	sadd.s32 $0x600, s0;
	s12 =	smax.u32 s31, $0x1;
	s11 =	sadd.s32 $0x800, s10  }
.LBB2_12:
0x10: {  	s25 =	sadd.s32 $0x1, s25  }
0x11: {  	_ =	swait.ge [sflag:s24], $0x4000;
	p0 =	sne.s32 s25, s12  }
.Ltmp1:
0x12: {  	[sflag:s24] =	ssyncset.done $0x0;
	(pc) =	sbr.rel @!p0 .LBB2_13-.Ltmp1, $4  }
0x13: {  	[sflag:s24] =	ssyncadd.s32 $0xFFFFC000  }
0x14: {  	_ =	swait.ge [sflag:s22], $0x4000  }
0x15: {  	[sflag:s22] =	ssyncset.done $0x0  }
0x16: {  	v61 =	vimm.s32 $0x7;
	[sflag:s22] =	ssyncadd.s32 $0xFFFFC000  }
.LBB2_1:
0x17: {  	[tilespmem:s13], [sflag:$0x5] =	stream.linear.gather [hbm4b:s6+s5], $0x80, $0x38;
	[tilespmem:$0x10200] =	vst v63  }
0x18: {  	_ =	swait.ge [sflag:s14], $0x80  }
0x19: {  	[sflag:s14] =	ssyncset.done $0x0  }
0x1a: {  	[sflag:s14] =	ssyncadd.s32 $0xFFFFFF80  }
0x1b: {  	[tilespmem:s15], [sflag:$0x5] =	stream.linear.gather [hbm4b:s2+s5], $0x80, $0x38;
	[tilespmem:$0x10200] =	vst v63  }
0x1c: {  	_ =	swait.ge [sflag:s14], $0x80  }
0x1d: {  	[sflag:s14] =	ssyncset.done $0x0  }
0x1e: {  	[sflag:s14] =	ssyncadd.s32 $0xFFFFFF80  }
0x1f: {  	[tilespmem:s16], [sflag:$0x5] =	stream.linear.gather [hbm4b:s8+s5], $0x80, $0x38;
	[tilespmem:$0x10200] =	vst v63  }
0x20: {  	_ =	swait.ge [sflag:s14], $0x80  }
0x21: {  	[sflag:s14] =	ssyncset.done $0x0  }
0x22: {  	[sflag:s14] =	ssyncadd.s32 $0xFFFFFF80  }
0x23: {  	[tilespmem:s17], [sflag:$0x5] =	stream.linear.gather [hbm4b:s9+s5], $0x80, $0x38;
	[tilespmem:$0x10200] =	vst v63  }
0x24: {  	_ =	swait.ge [sflag:s14], $0x80  }
0x25: {  	[sflag:s14] =	ssyncset.done $0x0  }
0x26: {  	[sflag:s14] =	ssyncadd.s32 $0xFFFFFF80  }
0x27: {  	[tilespmem:s5], [sflag:$0x1] =	stream.linear.gather [hbm4b:s10+s5], $0x4000, $0x38;
	[tilespmem:$0x10200] =	vst v63  }
0x28: {  	s26 =	simm.s32 $0x0  }
0x29: {  	[tilespmem:s18], [sflag:$0x2] =	stream.linear.gather [hbm4b:s11+s5], $0x4000, $0x38;
	[tilespmem:$0x10200] =	vst v63  }
.LBB2_2:
0x2a: {  	_ =	swait.ge [sflag:s19], $0x4000  }
0x2b: {  	p0 =	seq.s32 s26, $0x0;
	[sflag:s19] =	ssyncset.done $0x0  }
0x2c: {  	s0 =	simm.s32 @!p0 $0x3;
	[sflag:s19] =	ssyncadd.s32 $0xFFFFC000  }
0x2d: {  	_ =	swait.ge @!p0 [sflag:s0], $0x4000  }
0x2e: {  	[sflag:s0] =	ssyncset.done @!p0 $0x0  }
0x2f: {  	[sflag:s0] =	ssyncadd.s32 @!p0 $0xFFFFC000;
	s0 =	simm.s32 $0x80  }
0x30: {  	v0 =	vld [tilespmem:s0+$0x70]  }
0x31: {  	v2 =	vld [tilespmem:s0+$0xFFFFFFA0]  }
0x32: {  	v3 =	vld [tilespmem:s0+$0xFFFFFFB0]  }
0x33: {  	v5 =	vld [tilespmem:s0+$0xFFFFFFC0]  }
0x34: {  	v6 =	vld [tilespmem:s0+$0xFFFFFFD0]  }
0x35: {  	v7 =	vld [tilespmem:s0+$0xFFFFFFF0]  }
0x36: {  	v8 =	vld [tilespmem:s0+$0x0]  }
0x37: {  	v10 =	vld [tilespmem:s0+$0x10]  }
0x38: {  	v0 =	vmul.f32 $6.553600000e+04, v0  }
0x39: {  	v2 =	vmul.f32 $6.553600000e+04, v2;
	v3 =	vmul.f32 $6.553600000e+04, v3  }
0x3a: {  	v1 =	vld [tilespmem:s0+$0xFFFFFF90];
	v12 =	vmul.f32 $6.553600000e+04, v5;
	v6 =	vmul.f32 $6.553600000e+04, v6  }
0x3b: {  	v7 =	vmul.f32 $6.553600000e+04, v7;
	v8 =	vmul.f32 $6.553600000e+04, v8  }
0x3c: {  	v14 =	vld [tilespmem:s0+$0x30];
	v10 =	vmul.f32 $6.553600000e+04, v10;
	v0 =	vtrunc.f32 v0  }
0x3d: {  	v2 =	vtrunc.f32 v2;
	v3 =	vtrunc.f32 v3  }
0x3e: {  	v12 =	vtrunc.f32 v12;
	v6 =	vtrunc.f32 v6  }
0x3f: {  	v13 =	vld.idx.msk [tilespmem:v61+s13+$0x0], $0xffff;
	v4 =	vcvt.f32.s32 v0;
	v0 =	vmul.f32 $6.553600000e+04, v1  }
0x40: {  	v7 =	vtrunc.f32 v7;
	v19 =	vtrunc.f32 v8;
	v1 =	vld [tilespmem:s0+$0xFFFFFFE0]  }
0x41: {  	v8 =	vmul.f32 $6.553600000e+04, v14;
	v0 =	vtrunc.f32 v0  }
0x42: {  	v10 =	vtrunc.f32 v10;
	v5 =	vcvt.f32.s32 v0;
	v0 =	vld [tilespmem:s0+$0x20]  }
0x43: {  	v20 =	vimm.s32 $0x8;
	v14 =	vcvt.f32.s32 v12;
	v62 =	vcvt.f32.s32 v6  }
0x44: {  	v63 =	vcvt.f32.s32 v19;
	v19 =	vcvt.f32.s32 v10;
	vm0 =	vgt.s32 v13, v4  }
0x45: {  	v15 =	vld [tilespmem:s0+$0x40];
	vm3 =	vgt.s32 v13, v14;
	v9 =	vsel vm0, $0x0, v20;
	v1 =	vmul.f32 $6.553600000e+04, v1  }
0x46: {  	v16 =	vld [tilespmem:s0+$0x50];
	vm4 =	vgt.s32 v13, v62;
	vm7 =	vgt.s32 v13, v63;
	v11 =	vor.u32 $0x3, v9  }
0x47: {  	v17 =	vld [tilespmem:s0+$0xFFFFFF80];
	vm13 =	vgt.s32 v13, v5;
	v1 =	vtrunc.f32 v1;
	v0 =	vmul.f32 $6.553600000e+04, v0  }
0x48: {  	v24 =	vsel vm13, $0x0, v20;
	v20 =	vcvt.f32.s32 v3;
	v12 =	vcvt.f32.s32 v1  }
0x49: {  	vm8 =	vgt.s32 v13, v19;
	v1 =	vcvt.f32.s32 v7;
	v21 =	vtrunc.f32 v0  }
0x4a: {  	v26 =	vor.u32 $0x4, v24;
	v0 =	vmul.f32 $6.553600000e+04, v15;
	v15 =	vtrunc.f32 v8  }
0x4b: {  	vm2 =	vgt.s32 v13, v20;
	v11 =	vld.idx.msk [tilespmem:v11+s13+$0x0], $0xffff;
	v8 =	vmul.f32 $6.553600000e+04, v16;
	v10 =	vcvt.f32.s32 v21  }
0x4c: {  	vm5 =	vgt.s32 v13, v12;
	v16 =	vtrunc.f32 v0;
	v0 =	vmul.f32 $6.553600000e+04, v17  }
0x4d: {  	vm6 =	vgt.s32 v13, v1;
	v23 =	vtrunc.f32 v8;
	v8 =	vcvt.f32.s32 v2  }
0x4e: {  	v2 =	vor.u32 $0x3, v24;
	v17 =	vimm.s32 $0x8;
	v7 =	vcvt.f32.s32 v23  }
0x4f: {  	vm10 =	vgt.s32 v13, v10;
	v29 =	vsel vm5, $0x0, v17;
	v30 =	vsel vm6, $0x0, v17  }
0x50: {  	v18 =	vld [tilespmem:s0+$0x60];
	v33 =	vsel vm7, $0x0, v17;
	v34 =	vsel vm8, $0x0, v17;
	vm1 =	vgt.s32 v11, v4  }
0x51: {  	v11 =	vor.u32 $0x4, v9;
	v0 =	vtrunc.f32 v0;
	vm15 =	vgt.s32 v13, v8  }
0x52: {  	v35 =	vor.u32 $0x3, v29;
	v36 =	vsel vm10, $0x0, v17;
	v38 =	vor.u32 $0x3, v30  }
0x53: {  	v41 =	vor.u32 $0x3, v33;
	v43 =	vor.u32 $0x3, v34;
	v52 =	vor.u32 $0x4, v29  }
0x54: {  	v53 =	vor.u32 $0x4, v30;
	v54 =	vor.u32 $0x4, v33;
	v22 =	vsel vm1, v9, v11  }
0x55: {  	v9 =	vmul.f32 $6.553600000e+04, v18;
	v0 =	vcvt.f32.s32 v0;
	v11 =	vor.u32 $0x1, v22  }
0x56: {  	v55 =	vor.u32 $0x4, v34;
	v44 =	vor.u32 $0x3, v36;
	v56 =	vor.u32 $0x4, v36  }
0x57: {  	v25 =	vtrunc.f32 v9;
	vm14 =	vgt.s32 v13, v0;
	v9 =	vcvt.f32.s32 v16  }
0x58: {  	v16 =	vsel vm15, $0x0, v17;
	v2 =	vld.idx.msk [tilespmem:v2+s13+$0x0], $0xffff;
	v6 =	vcvt.f32.s32 v25;
	v25 =	vsel vm3, $0x0, v17  }
0x59: {  	v23 =	vor.u32 $0x3, v16;
	vm13 =	vgt.s32 v13, v9;
	v28 =	vor.u32 $0x3, v25  }
0x5a: {  	v50 =	vor.u32 $0x4, v25;
	vm15 =	vgt.s32 v13, v6;
	v39 =	vsel vm13, $0x0, v17;
	v3 =	vld.idx.msk [tilespmem:v11+s13+$0x0], $0xffff  }
0x5b: {  	v41 =	vld.idx.msk [tilespmem:v41+s13+$0x0], $0xffff;
	v11 =	vcvt.f32.s32 v15;
	v15 =	vsel vm14, $0x0, v17;
	vm14 =	vgt.s32 v13, v7  }
0x5c: {  	v43 =	vld.idx.msk [tilespmem:v43+s13+$0x0], $0xffff;
	v42 =	vsel vm15, $0x0, v17;
	v46 =	vor.u32 $0x3, v39;
	v21 =	vor.u32 $0x3, v15  }
0x5d: {  	v44 =	vld.idx.msk [tilespmem:v44+s13+$0x0], $0xffff;
	vm10 =	vgt.s32 v2, v5;
	vm12 =	vgt.s32 v13, v11;
	v13 =	vsel vm4, $0x0, v17  }
0x5e: {  	v47 =	vor.u32 $0x3, v42;
	v2 =	vld.idx.msk [tilespmem:v38+s13+$0x0], $0xffff;
	v24 =	vsel vm10, v24, v26;
	v31 =	vor.u32 $0x3, v13  }
0x5f: {  	v23 =	vld.idx.msk [tilespmem:v23+s13+$0x0], $0xffff;
	v60 =	vor.u32 $0x1, v24;
	vm9 =	vgt.s32 v3, v4;
	v3 =	vor.u32 $0x2, v22  }
0x60: {  	v35 =	vld.idx.msk [tilespmem:v35+s13+$0x0], $0xffff;
	v38 =	vor.u32 $0x4, v16;
	v37 =	vsel vm12, $0x0, v17;
	v3 =	vsel vm9, v22, v3  }
0x61: {  	vm6 =	vgt.s32 v41, v63;
	v45 =	vor.u32 $0x3, v37;
	v22 =	vsel vm2, $0x0, v17;
	v21 =	vld.idx.msk [tilespmem:v21+s13+$0x0], $0xffff  }
0x62: {  	v28 =	vld.idx.msk [tilespmem:v28+s13+$0x0], $0xffff;
	vm7 =	vgt.s32 v43, v19;
	vm8 =	vgt.s32 v44, v10;
	v27 =	vor.u32 $0x3, v22  }
0x63: {  	v33 =	vsel vm6, v33, v54;
	v36 =	vsel vm8, v36, v56;
	vm5 =	vgt.s32 v2, v1;
	v31 =	vld.idx.msk [tilespmem:v31+s13+$0x0], $0xffff  }
0x64: {  	vm12 =	vgt.s32 v23, v8;
	v30 =	vsel vm5, v30, v53;
	v53 =	vor.u32 $0x1, v33;
	v41 =	vld.idx.msk [tilespmem:v60+s13+$0x0], $0xffff  }
0x65: {  	v34 =	vsel vm7, v34, v55;
	v55 =	vor.u32 $0x1, v36;
	v16 =	vsel vm12, v16, v38;
	v32 =	vld.idx.msk [tilespmem:v3+s13+$0x0], $0xffff  }
0x66: {  	v49 =	vor.u32 $0x4, v15;
	v45 =	vld.idx.msk [tilespmem:v45+s13+$0x0], $0xffff;
	v38 =	vor.u32 $0x1, v16;
	vm11 =	vgt.s32 v21, v0  }
0x67: {  	v40 =	vsel vm14, $0x0, v17;
	vm14 =	vgt.s32 v28, v14;
	v27 =	vld.idx.msk [tilespmem:v27+s13+$0x0], $0xffff;
	v26 =	vsel vm11, v15, v49  }
0x68: {  	vm4 =	vgt.s32 v35, v12;
	v25 =	vsel vm14, v25, v50;
	v50 =	vld.idx.msk [tilespmem:v47+s13+$0x0], $0xffff;
	v23 =	vor.u32 $0x1, v26  }
0x69: {  	v29 =	vsel vm4, v29, v52;
	v43 =	vld.idx.msk [tilespmem:v53+s13+$0x0], $0xffff;
	vm15 =	vgt.s32 v31, v62;
	v31 =	vor.u32 $0x1, v25  }
0x6a: {  	v17 =	vimm.s32 $0x0;
	v52 =	vor.u32 $0x1, v30;
	v53 =	vld.idx.msk [tilespmem:v55+s13+$0x0], $0xffff;
	vm9 =	vle.s32 v32, v4  }
0x6b: {  	v58 =	vor.u32 $0x4, v39;
	v38 =	vld.idx.msk [tilespmem:v38+s13+$0x0], $0xffff;
	v32 =	vor.u32 $0x3, v40;
	v48 =	vsel vm9, $0x1, v17  }
0x6c: {  	v59 =	vor.u32 $0x4, v40;
	vm13 =	vgt.s32 v27, v20;
	v27 =	vld.idx.msk [tilespmem:v46+s13+$0x0], $0xffff;
	v3 =	vor.u32 v48, v3  }
0x6d: {  	v51 =	vor.u32 $0x4, v13;
	v57 =	vor.u32 $0x4, v37;
	v54 =	vor.u32 $0x1, v34;
	v2 =	vld.idx.msk [tilespmem:v23+s13+$0x0], $0xffff  }
0x6e: {  	v49 =	vor.u32 $0x4, v42;
	v55 =	vor.u32 $0x2, v25;
	vm9 =	vgt.s32 v45, v11;
	v31 =	vld.idx.msk [tilespmem:v31+s13+$0x0], $0xffff  }
0x6f: {  	v60 =	vor.u32 $0x2, v26;
	vm14 =	vgt.s32 v41, v5;
	v37 =	vsel vm9, v37, v57;
	v57 =	vld.idx.msk [tilespmem:v52+s13+$0x0], $0xffff  }
0x70: {  	v13 =	vsel vm15, v13, v51;
	vm12 =	vgt.s32 v50, v6;
	v23 =	vor.u32 $0x1, v29;
	v28 =	vld.idx.msk [tilespmem:v32+s13+$0x0], $0xffff  }
0x71: {  	v50 =	vor.u32 $0x2, v34;
	v51 =	vor.u32 $0x1, v13;
	v48 =	vor.u32 $0x4, v22;
	v15 =	vld.idx.msk [tilespmem:v3+s17+$0x0], $0xffff  }
0x72: {  	v42 =	vsel vm12, v42, v49;
	v46 =	vsel vm13, v22, v48;
	v56 =	vor.u32 $0x1, v37;
	v21 =	vld.idx.msk [tilespmem:v3+s16+$0x0], $0xffff  }
0x73: {  	v52 =	vor.u32 $0x2, v16;
	vm15 =	vgt.s32 v38, v8;
	v22 =	vld.idx.msk [tilespmem:v3+s15+$0x0], $0xffff;
	v3 =	vor.u32 $0x1, v46  }
0x74: {  	v44 =	vld.idx.msk [tilespmem:v54+s13+$0x0], $0xffff;
	vm10 =	vgt.s32 v27, v9;
	vm13 =	vgt.s32 v2, v0;
	v2 =	vor.u32 $0x1, v42  }
0x75: {  	v39 =	vsel vm10, v39, v58;
	v23 =	vld.idx.msk [tilespmem:v23+s13+$0x0], $0xffff;
	v58 =	vor.u32 $0x2, v24;
	v26 =	vsel vm13, v26, v60  }
0x76: {  	vm9 =	vgt.s32 v43, v63;
	v16 =	vsel vm15, v16, v52;
	v27 =	vld.idx.msk [tilespmem:v51+s13+$0x0], $0xffff;
	v24 =	vsel vm14, v24, v58  }
0x77: {  	v52 =	vor.u32 $0x2, v37;
	v51 =	vor.u32 $0x2, v36;
	vm5 =	vgt.s32 v31, v14;
	v35 =	vld.idx.msk [tilespmem:v56+s13+$0x0], $0xffff  }
0x78: {  	vm8 =	vgt.s32 v57, v1;
	v25 =	vsel vm5, v25, v55;
	vm11 =	vgt.s32 v28, v7;
	v3 =	vld.idx.msk [tilespmem:v3+s13+$0x0], $0xffff  }
0x79: {  	vm10 =	vgt.s32 v44, v19;
	v28 =	vor.u32 $0x1, v39;
	v40 =	vsel vm11, v40, v59;
	v2 =	vld.idx.msk [tilespmem:v2+s13+$0x0], $0xffff  }
0x7a: {  	v34 =	vsel vm10, v34, v50;
	v59 =	vor.u32 $0x1, v40;
	vm7 =	vgt.s32 v23, v12;
	v23 =	vld.idx.msk [tilespmem:v26+s13+$0x0], $0xffff  }
0x7b: {  	vm6 =	vgt.s32 v27, v62;
	v27 =	vor.u32 $0x2, v30;
	vm11 =	vgt.s32 v53, v10;
	v57 =	vld.idx.msk [tilespmem:v24+s13+$0x0], $0xffff  }
0x7c: {  	v27 =	vsel vm8, v30, v27;
	v30 =	vld.idx.msk [tilespmem:v16+s13+$0x0], $0xffff;
	v36 =	vsel vm11, v36, v51;
	vm12 =	vgt.s32 v35, v11  }
0x7d: {  	v54 =	vor.u32 $0x2, v46;
	v56 =	vor.u32 $0x2, v29;
	v53 =	vld.idx.msk [tilespmem:v25+s13+$0x0], $0xffff;
	v37 =	vsel vm12, v37, v52  }
0x7e: {  	v29 =	vsel vm7, v29, v56;
	vm4 =	vgt.s32 v3, v20;
	v3 =	vld.idx.msk [tilespmem:v28+s13+$0x0], $0xffff;
	v28 =	vor.u32 $0x2, v13  }
0x7f: {  	v31 =	vld.idx.msk [tilespmem:v59+s13+$0x0], $0xffff;
	v46 =	vsel vm4, v46, v54;
	v13 =	vsel vm6, v13, v28;
	vm4 =	vle.s32 v23, v0  }
0x80: {  	v28 =	vor.u32 $0x2, v33;
	vm5 =	vle.s32 v57, v5;
	v57 =	vld.idx.msk [tilespmem:v34+s13+$0x0], $0xffff;
	v56 =	vsel vm4, $0x1, v17  }
0x81: {  	vm6 =	vle.s32 v30, v8;
	v30 =	vld.idx.msk [tilespmem:v36+s13+$0x0], $0xffff;
	v45 =	vor.u32 v56, v26;
	v26 =	vsel vm5, $0x1, v17  }
0x82: {  	v28 =	vsel vm9, v33, v28;
	v43 =	vor.u32 v26, v24;
	v26 =	vld.idx.msk [tilespmem:v37+s13+$0x0], $0xffff  }
0x83: {  	vm13 =	vgt.s32 v3, v9;
	v3 =	vld.idx.msk [tilespmem:v29+s13+$0x0], $0xffff  }
0x84: {  	vm14 =	vgt.s32 v31, v7;
	v31 =	vld.idx.msk [tilespmem:v27+s13+$0x0], $0xffff  }
0x85: {  	v59 =	vor.u32 $0x2, v42;
	vm15 =	vgt.s32 v2, v6;
	v33 =	vld.idx.msk [tilespmem:v46+s13+$0x0], $0xffff  }
0x86: {  	v54 =	vor.u32 $0x2, v39;
	v23 =	vsel vm15, v42, v59;
	v55 =	vld.idx.msk [tilespmem:v13+s13+$0x0], $0xffff  }
0x87: {  	v58 =	vor.u32 $0x2, v40;
	v47 =	vsel vm13, v39, v54;
	v2 =	vld.idx.msk [tilespmem:v28+s13+$0x0], $0xffff  }
0x88: {  	vm8 =	vle.s32 v53, v14;
	v24 =	vsel vm6, $0x1, v17;
	v60 =	vsel vm14, v40, v58  }
0x89: {  	v39 =	vor.u32 v24, v16;
	vm13 =	vle.s32 v57, v19;
	vm14 =	vle.s32 v30, v10  }
0x8a: {  	vm15 =	vle.s32 v26, v11;
	vm10 =	vle.s32 v3, v12;
	vm7 =	vle.s32 v33, v20  }
0x8b: {  	v3 =	vld.idx.msk [tilespmem:v23+s13+$0x0], $0xffff;
	vm11 =	vle.s32 v31, v1;
	vm9 =	vle.s32 v55, v62;
	v16 =	vsel vm7, $0x1, v17  }
0x8c: {  	v24 =	vld.idx.msk [tilespmem:v47+s13+$0x0], $0xffff;
	vm12 =	vle.s32 v2, v63;
	v49 =	vor.u32 v16, v46;
	v16 =	vsel vm8, $0x1, v17  }
0x8d: {  	v31 =	vld.idx.msk [tilespmem:v43+s17+$0x0], $0xffff;
	v2 =	vsel vm12, $0x1, v17;
	v52 =	vor.u32 v16, v25;
	v16 =	vsel vm9, $0x1, v17  }
0x8e: {  	v58 =	vld.idx.msk [tilespmem:v60+s13+$0x0], $0xffff;
	v33 =	vor.u32 v2, v28;
	v40 =	vor.u32 v16, v13;
	v13 =	vsel vm10, $0x1, v17  }
0x8f: {  	v59 =	vld.idx.msk [tilespmem:v39+s17+$0x0], $0xffff;
	v2 =	vsel vm13, $0x1, v17;
	v41 =	vor.u32 v13, v29;
	v13 =	vsel vm11, $0x1, v17  }
0x90: {  	v25 =	vld.idx.msk [tilespmem:v45+s17+$0x0], $0xffff;
	v51 =	vor.u32 v2, v34;
	v2 =	vsel vm14, $0x1, v17;
	v42 =	vor.u32 v13, v27  }
0x91: {  	v44 =	vor.u32 v2, v36;
	v2 =	vsel vm15, $0x1, v17;
	vm4 =	vle.s32 v24, v9;
	v28 =	vld.idx.msk [tilespmem:v49+s17+$0x0], $0xffff  }
0x92: {  	v27 =	vor.u32 v2, v37;
	v2 =	vsel vm4, $0x1, v17;
	v26 =	vld.idx.msk [tilespmem:v52+s17+$0x0], $0xffff  }
0x93: {  	vm5 =	vle.s32 v58, v7;
	v13 =	vor.u32 v2, v47;
	v24 =	vld.idx.msk [tilespmem:v40+s17+$0x0], $0xffff  }
0x94: {  	vm6 =	vle.s32 v3, v6;
	v2 =	vsel vm5, $0x1, v17;
	v30 =	vld.idx.msk [tilespmem:v41+s17+$0x0], $0xffff;
	[tilespmem:$0x1FE70] =	vst v13  }
0x95: {  	v3 =	vor.u32 v2, v60;
	v2 =	vsel vm6, $0x1, v17;
	v34 =	vld.idx.msk [tilespmem:v42+s17+$0x0], $0xffff  }
0x96: {  	v2 =	vor.u32 v2, v23;
	v35 =	vld.idx.msk [tilespmem:v33+s17+$0x0], $0xffff;
	[tilespmem:$0x1FE80] =	vst v3  }
0x97: {  	v36 =	vld.idx.msk [tilespmem:v51+s17+$0x0], $0xffff;
	[tilespmem:$0x1FE90] =	vst v2  }
0x98: {  	v37 =	vld.idx.msk [tilespmem:v44+s17+$0x0], $0xffff  }
0x99: {  	v38 =	vld.idx.msk [tilespmem:v27+s17+$0x0], $0xffff  }
0x9a: {  	s0 =	simm.s32 $0x180;
	v46 =	vld.idx.msk [tilespmem:v13+s17+$0x0], $0xffff  }
0x9b: {  	v23 =	vld [tilespmem:s0+$0x70]  }
0x9c: {  	v47 =	vld.idx.msk [tilespmem:v3+s17+$0x0], $0xffff  }
0x9d: {  	v50 =	vld.idx.msk [tilespmem:v45+s16+$0x0], $0xffff  }
0x9e: {  	v53 =	vld.idx.msk [tilespmem:v43+s16+$0x0], $0xffff  }
0x9f: {  	v4 =	vshra.s32 v4, v15;
	v15 =	vld.idx.msk [tilespmem:v39+s16+$0x0], $0xffff  }
0xa0: {  	v4 =	vmul.u32 v21, v4;
	v48 =	vld.idx.msk [tilespmem:v2+s17+$0x0], $0xffff  }
0xa1: {  	v2 =	vld.idx.msk [tilespmem:v61+s13+$0x0], $0xffff;
	v23 =	vmul.f32 $6.553600000e+04, v23  }
0xa2: {  	v54 =	vld.idx.msk [tilespmem:v49+s16+$0x0], $0xffff;
	v3 =	vadd.s32 v22, v4  }
0xa3: {  	v55 =	vld [tilespmem:s0+$0xFFFFFF90];
	[tilespmem:$0x1FFB0] =	vst v3;
	v21 =	vtrunc.f32 v23  }
0xa4: {  	v22 =	vld [tilespmem:s0+$0xFFFFFFA0];
	v29 =	vcvt.f32.s32 v21  }
0xa5: {  	v18 =	vimm.s32 $0x8;
	v25 =	vshra.s32 v0, v25;
	v60 =	vld [tilespmem:s0+$0xFFFFFFB0]  }
0xa6: {  	v14 =	vshra.s32 v14, v26;
	v61 =	vld [tilespmem:s0+$0xFFFFFFC0];
	v0 =	vshra.s32 v63, v35;
	vm7 =	vgt.s32 v2, v29  }
0xa7: {  	v57 =	vshra.s32 v62, v24;
	v24 =	vld [tilespmem:s0+$0xFFFFFFD0];
	[tilespmem:$0x1FEA0] =	vst v0;
	v0 =	vshra.s32 v19, v36;
	v56 =	vsel vm7, $0x0, v18  }
0xa8: {  	v12 =	vshra.s32 v12, v30;
	v30 =	vld [tilespmem:s0+$0xFFFFFFE0];
	[tilespmem:$0x1FEB0] =	vst v0;
	v0 =	vshra.s32 v10, v37;
	v26 =	vor.u32 $0x3, v56  }
0xa9: {  	v8 =	vshra.s32 v8, v59;
	v59 =	vld [tilespmem:s0+$0xFFFFFFF0];
	[tilespmem:$0x1FEC0] =	vst v0;
	v0 =	vshra.s32 v11, v38  }
0xaa: {  	v19 =	vmul.f32 $6.553600000e+04, v55;
	[tilespmem:$0x1FED0] =	vst v0;
	v0 =	vshra.s32 v9, v46  }
0xab: {  	v10 =	vld [tilespmem:s0+$0x0];
	[tilespmem:$0x1FEE0] =	vst v0;
	v0 =	vshra.s32 v7, v47  }
0xac: {  	v3 =	vmul.u32 v50, v25;
	v9 =	vtrunc.f32 v19;
	v19 =	vld [tilespmem:s0+$0x10];
	[tilespmem:$0x1FF00] =	vst v0;
	v0 =	vshra.s32 v6, v48  }
0xad: {  	v31 =	vshra.s32 v5, v31;
	v5 =	vmul.f32 $6.553600000e+04, v60;
	v60 =	vld.idx.msk [tilespmem:v26+s13+$0x0], $0xffff;
	[tilespmem:$0x1FF10] =	vst v0  }
0xae: {  	v16 =	vcvt.f32.s32 v9;
	v9 =	vld [tilespmem:s0+$0x20];
	[tilespmem:$0x1FEF0] =	vst v3;
	v3 =	vmul.u32 v53, v31;
	_ =	sdelay $0x1  }
0xaf: {  	v31 =	vmul.f32 $6.553600000e+04, v59;
	v62 =	vld [tilespmem:s0+$0x30];
	[tilespmem:$0x1FF20] =	vst v3;
	v3 =	vmul.u32 v15, v8;
	_ =	sdelay $0x1  }
0xb0: {  	v46 =	vtrunc.f32 v31;
	v31 =	vor.u32 $0x4, v56;
	v63 =	vld [tilespmem:s0+$0x40];
	[tilespmem:$0x1FF30] =	vst v3;
	vm8 =	vgt.s32 v60, v29  }
0xb1: {  	v50 =	vsel vm8, v56, v31;
	v31 =	vld.idx.msk [tilespmem:v52+s16+$0x0], $0xffff;
	_ =	sdelay $0x1  }
0xb2: {  	v38 =	vld.idx.msk [tilespmem:v40+s16+$0x0], $0xffff  }
0xb3: {  	v30 =	vmul.f32 $6.553600000e+04, v30;
	v15 =	vld [tilespmem:s0+$0x50]  }
0xb4: {  	v28 =	vshra.s32 v20, v28;
	v32 =	vmul.f32 $6.553600000e+04, v61;
	v4 =	vld.idx.msk [tilespmem:v41+s16+$0x0], $0xffff;
	v36 =	vor.u32 $0x1, v50  }
0xb5: {  	v20 =	vmul.f32 $6.553600000e+04, v22;
	v8 =	vtrunc.f32 v30;
	v30 =	vld [tilespmem:s0+$0x60];
	v0 =	vmul.u32 v31, v14  }
0xb6: {  	v7 =	vtrunc.f32 v5;
	v37 =	vtrunc.f32 v32;
	vm9 =	vgt.s32 v2, v16;
	v5 =	vld.idx.msk [tilespmem:v42+s16+$0x0], $0xffff  }
0xb7: {  	v55 =	vsel vm9, $0x0, v18;
	v35 =	vld [tilespmem:s0+$0xFFFFFF80];
	v32 =	vmul.f32 $6.553600000e+04, v62;
	[tilespmem:$0x1FF40] =	vst v0;
	v0 =	vmul.u32 v38, v57  }
0xb8: {  	v11 =	vtrunc.f32 v20;
	v47 =	vor.u32 $0x3, v55;
	v19 =	vmul.f32 $6.553600000e+04, v19  }
0xb9: {  	v56 =	vtrunc.f32 v32;
	v32 =	vcvt.f32.s32 v11;
	v11 =	vld.idx.msk [tilespmem:v36+s13+$0x0], $0xffff;
	[tilespmem:$0x1FF60] =	vst v0;
	v0 =	vmul.u32 v4, v12  }
0xba: {  	v1 =	vshra.s32 v1, v34  }
0xbb: {  	v53 =	vtrunc.f32 v19;
	v19 =	vmul.f32 $6.553600000e+04, v63;
	v22 =	vld.idx.msk [tilespmem:v33+s16+$0x0], $0xffff;
	[tilespmem:$0x1FF80] =	vst v0;
	v0 =	vmul.u32 v5, v1;
	_ =	sdelay $0x1  }
0xbc: {  	v48 =	vtrunc.f32 v19;
	v23 =	vld.idx.msk [tilespmem:v51+s16+$0x0], $0xffff;
	[tilespmem:$0x1FFA0] =	vst v0  }
0xbd: {  	v19 =	vmul.f32 $6.553600000e+04, v30;
	v30 =	vmul.f32 $6.553600000e+04, v35;
	v58 =	vld.idx.msk [tilespmem:v47+s13+$0x0], $0xffff  }
0xbe: {  	v61 =	vmul.f32 $6.553600000e+04, v24;
	v0 =	vld.idx.msk [tilespmem:v52+s15+$0x0], $0xffff  }
0xbf: {  	v14 =	vtrunc.f32 v30;
	v30 =	vld.idx.msk [tilespmem:v44+s16+$0x0], $0xffff  }
0xc0: {  	v6 =	vtrunc.f32 v61;
	v25 =	vld.idx.msk [tilespmem:v45+s15+$0x0], $0xffff  }
0xc1: {  	v37 =	vcvt.f32.s32 v37;
	v10 =	vmul.f32 $6.553600000e+04, v10;
	v24 =	vld.idx.msk [tilespmem:v43+s15+$0x0], $0xffff  }
0xc2: {  	v28 =	vmul.u32 v54, v28;
	v34 =	vcvt.f32.s32 v6;
	v9 =	vmul.f32 $6.553600000e+04, v9;
	v21 =	vld.idx.msk [tilespmem:v39+s15+$0x0], $0xffff  }
0xc3: {  	vm7 =	vgt.s32 v2, v37;
	v10 =	vtrunc.f32 v10;
	v15 =	vmul.f32 $6.553600000e+04, v15;
	v26 =	vld.idx.msk [tilespmem:v49+s15+$0x0], $0xffff;
	[tilespmem:$0x1FF50] =	vst v0  }
0xc4: {  	vm13 =	vgt.s32 v2, v34;
	v9 =	vtrunc.f32 v9;
	v35 =	vcvt.f32.s32 v10;
	v0 =	vld.idx.msk [tilespmem:v40+s15+$0x0], $0xffff  }
0xc5: {  	v63 =	vor.u32 $0x2, v50;
	v48 =	vcvt.f32.s32 v48;
	v61 =	vtrunc.f32 v15  }
0xc6: {  	vm1 =	vgt.s32 v2, v32;
	v62 =	vtrunc.f32 v19;
	v38 =	vcvt.f32.s32 v7  }
0xc7: {  	v54 =	vsel vm1, $0x0, v18;
	v15 =	vcvt.f32.s32 v8;
	v19 =	vcvt.f32.s32 v14  }
0xc8: {  	v7 =	vor.u32 $0x3, v54;
	v36 =	vcvt.f32.s32 v46;
	vm11 =	vgt.s32 v11, v29  }
0xc9: {  	v46 =	vcvt.f32.s32 v53;
	vm10 =	vgt.s32 v2, v19;
	v53 =	vsel vm11, v50, v63;
	[tilespmem:$0x1FF70] =	vst v0  }
0xca: {  	vm2 =	vgt.s32 v2, v48;
	v47 =	vcvt.f32.s32 v56;
	v56 =	vsel vm10, $0x0, v18;
	v0 =	vld.idx.msk [tilespmem:v41+s15+$0x0], $0xffff  }
0xcb: {  	vm12 =	vgt.s32 v2, v38;
	vm14 =	vgt.s32 v2, v15;
	v5 =	vor.u32 $0x3, v56  }
0xcc: {  	vm15 =	vgt.s32 v2, v36;
	vm5 =	vgt.s32 v2, v46;
	v57 =	vsel vm12, $0x0, v18  }
0xcd: {  	v60 =	vor.u32 $0x3, v57;
	v45 =	vcvt.f32.s32 v9;
	v49 =	vcvt.f32.s32 v61  }
0xce: {  	v50 =	vcvt.f32.s32 v62;
	vm11 =	vgt.s32 v2, v35;
	v63 =	vsel vm14, $0x0, v18;
	v6 =	vld.idx.msk [tilespmem:v53+s13+$0x0], $0xffff  }
0xcf: {  	v62 =	vsel vm13, $0x0, v18;
	v1 =	vor.u32 $0x3, v63;
	v59 =	vsel vm11, $0x0, v18;
	[tilespmem:$0x1FF90] =	vst v0  }
0xd0: {  	vm4 =	vgt.s32 v2, v45;
	vm13 =	vgt.s32 v58, v16;
	v58 =	vsel vm15, $0x0, v18;
	v61 =	vld.idx.msk [tilespmem:v5+s13+$0x0], $0xffff  }
0xd1: {  	vm3 =	vgt.s32 v2, v47;
	vm0 =	vgt.s32 v2, v49;
	v41 =	vor.u32 $0x3, v58;
	v43 =	vld.idx.msk [tilespmem:v33+s15+$0x0], $0xffff  }
0xd2: {  	vm12 =	vgt.s32 v2, v50;
	v2 =	vsel vm7, $0x0, v18;
	v3 =	vor.u32 $0x3, v59;
	v39 =	vld.idx.msk [tilespmem:v51+s15+$0x0], $0xffff  }
0xd3: {  	v0 =	vor.u32 $0x3, v2;
	vm14 =	vle.s32 v6, v29;
	v40 =	vld.idx.msk [tilespmem:v7+s13+$0x0], $0xffff  }
0xd4: {  	v51 =	vor.u32 $0x3, v62;
	v33 =	vor.u32 $0x4, v55;
	v60 =	vld.idx.msk [tilespmem:v60+s13+$0x0], $0xffff;
	v7 =	vsel vm2, $0x0, v18  }
0xd5: {  	v31 =	vsel vm14, $0x1, v17;
	v9 =	vld.idx.msk [tilespmem:v1+s13+$0x0], $0xffff;
	v52 =	vsel vm13, v55, v33;
	v55 =	vor.u32 $0x3, v7  }
0xd6: {  	v20 =	vor.u32 $0x4, v56;
	v4 =	vld.idx.msk [tilespmem:v41+s13+$0x0], $0xffff;
	v31 =	vor.u32 v31, v53;
	v53 =	vsel vm3, $0x0, v18  }
0xd7: {  	v6 =	vsel vm4, $0x0, v18;
	v10 =	vld.idx.msk [tilespmem:v3+s13+$0x0], $0xffff;
	v41 =	vor.u32 $0x4, v57;
	v1 =	vor.u32 $0x3, v53  }
0xd8: {  	v8 =	vld.idx.msk [tilespmem:v0+s13+$0x0], $0xffff;
	v0 =	vor.u32 $0x3, v6;
	vm15 =	vgt.s32 v61, v19;
	v61 =	vsel vm5, $0x0, v18  }
0xd9: {  	v51 =	vld.idx.msk [tilespmem:v51+s13+$0x0], $0xffff;
	vm7 =	vgt.s32 v40, v32;
	vm8 =	vgt.s32 v60, v38;
	v33 =	vor.u32 $0x3, v61  }
0xda: {  	v40 =	vor.u32 $0x4, v54;
	vm11 =	vgt.s32 v9, v15;
	v20 =	vsel vm15, v56, v20;
	v14 =	vld.idx.msk [tilespmem:v55+s13+$0x0], $0xffff  }
0xdb: {  	v54 =	vsel vm7, v54, v40;
	v56 =	vsel vm8, v57, v41;
	v57 =	vsel vm12, $0x0, v18;
	v9 =	vld.idx.msk [tilespmem:v31+s17+$0x0], $0xffff  }
0xdc: {  	vm12 =	vgt.s32 v4, v36;
	v41 =	vor.u32 $0x4, v63;
	v12 =	vld.idx.msk [tilespmem:v1+s13+$0x0], $0xffff;
	v40 =	vor.u32 $0x3, v57  }
0xdd: {  	v4 =	vor.u32 $0x1, v20;
	v1 =	vor.u32 $0x1, v52;
	vm9 =	vgt.s32 v8, v37;
	v13 =	vld.idx.msk [tilespmem:v0+s13+$0x0], $0xffff  }
0xde: {  	v0 =	vor.u32 $0x4, v62;
	vm10 =	vgt.s32 v51, v34;
	v5 =	vld.idx.msk [tilespmem:v33+s13+$0x0], $0xffff;
	v33 =	vor.u32 $0x4, v2  }
0xdf: {  	v11 =	vsel vm10, v62, v0;
	v0 =	vor.u32 $0x4, v58;
	v60 =	vsel vm9, v2, v33;
	v2 =	vld.idx.msk [tilespmem:v31+s16+$0x0], $0xffff  }
0xe0: {  	v8 =	vsel vm0, $0x0, v18;
	v3 =	vsel vm12, v58, v0;
	v0 =	vor.u32 $0x1, v60  }
0xe1: {  	vm13 =	vgt.s32 v10, v35;
	v51 =	vor.u32 $0x3, v8;
	v62 =	vsel vm11, v63, v41;
	v31 =	vld.idx.msk [tilespmem:v31+s15+$0x0], $0xffff  }
0xe2: {  	v9 =	vshra.s32 v29, v9;
	v29 =	vor.u32 $0x4, v6;
	v58 =	vor.u32 $0x1, v54;
	v55 =	vld.idx.msk [tilespmem:v40+s13+$0x0], $0xffff  }
0xe3: {  	vm5 =	vgt.s32 v14, v48;
	v33 =	vor.u32 $0x4, v59;
	v4 =	vld.idx.msk [tilespmem:v4+s13+$0x0], $0xffff;
	vm4 =	vgt.s32 v12, v47  }
0xe4: {  	v12 =	vld.idx.msk [tilespmem:v1+s13+$0x0], $0xffff;
	v59 =	vsel vm13, v59, v33;
	v2 =	vmul.u32 v2, v9;
	v9 =	vor.u32 $0x4, v7  }
0xe5: {  	v40 =	vor.u32 $0x4, v61;
	v0 =	vld.idx.msk [tilespmem:v0+s13+$0x0], $0xffff;
	v7 =	vsel vm5, v7, v9;
	v9 =	vor.u32 $0x1, v59  }
0xe6: {  	v41 =	vor.u32 $0x1, v11;
	v1 =	vor.u32 $0x1, v62;
	v14 =	vor.u32 $0x1, v3;
	v10 =	vld.idx.msk [tilespmem:v51+s13+$0x0], $0xffff  }
0xe7: {  	v33 =	vor.u32 $0x4, v57;
	vm15 =	vgt.s32 v13, v45;
	v13 =	vld.idx.msk [tilespmem:v58+s13+$0x0], $0xffff;
	v58 =	vor.u32 $0x4, v53  }
0xe8: {  	v6 =	vsel vm15, v6, v29;
	vm7 =	vgt.s32 v55, v50;
	v29 =	vsel vm4, v53, v58;
	v53 =	vld.idx.msk [tilespmem:v27+s16+$0x0], $0xffff  }
0xe9: {  	vm14 =	vgt.s32 v5, v46;
	v55 =	vsel vm7, v57, v33;
	v33 =	vld.idx.msk [tilespmem:v27+s15+$0x0], $0xffff;
	v27 =	vor.u32 $0x1, v29  }
0xea: {  	v5 =	vor.u32 $0x1, v56;
	vm12 =	vgt.s32 v0, v37;
	v0 =	vld.idx.msk [tilespmem:v9+s13+$0x0], $0xffff;
	v9 =	vor.u32 $0x1, v7  }
0xeb: {  	v61 =	vsel vm14, v61, v40;
	vm6 =	vgt.s32 v10, v49;
	v10 =	vld.idx.msk [tilespmem:v1+s13+$0x0], $0xffff;
	v1 =	vor.u32 $0x4, v8  }
0xec: {  	v40 =	vor.u32 $0x1, v6;
	vm8 =	vgt.s32 v4, v19;
	v4 =	vld.idx.msk [tilespmem:v14+s13+$0x0], $0xffff;
	v8 =	vsel vm6, v8, v1  }
0xed: {  	v51 =	vadd.s32 v31, v2;
	v2 =	vld.idx.msk [tilespmem:v41+s13+$0x0], $0xffff;
	vm10 =	vgt.s32 v13, v32;
	v13 =	vor.u32 $0x1, v8  }
0xee: {  	v14 =	vld.idx.msk [tilespmem:v27+s13+$0x0], $0xffff;
	v27 =	vor.u32 $0x1, v55  }
0xef: {  	vm6 =	vgt.s32 v0, v35;
	v0 =	vld.idx.msk [tilespmem:v9+s13+$0x0], $0xffff  }
0xf0: {  	v5 =	vld.idx.msk [tilespmem:v5+s13+$0x0], $0xffff  }
0xf1: {  	vm14 =	vgt.s32 v10, v15;
	v10 =	vld.idx.msk [tilespmem:v40+s13+$0x0], $0xffff  }
0xf2: {  	v41 =	vor.u32 $0x2, v20;
	v13 =	vld.idx.msk [tilespmem:v13+s13+$0x0], $0xffff  }
0xf3: {  	vm13 =	vgt.s32 v2, v34;
	v2 =	vsel vm8, v20, v41;
	v20 =	vor.u32 $0x2, v54;
	v41 =	vld.idx.msk [tilespmem:v27+s13+$0x0], $0xffff  }
0xf4: {  	v20 =	vsel vm10, v54, v20;
	v40 =	vor.u32 $0x2, v60;
	vm10 =	vgt.s32 v0, v48;
	v0 =	vld [tilespmem:$0x1FEA0]  }
0xf5: {  	v54 =	vsel vm12, v60, v40;
	v40 =	vld [tilespmem:$0x1FEB0]  }
0xf6: {  	v18 =	vld [tilespmem:$0x1FEC0];
	v63 =	vor.u32 $0x2, v56;
	vm9 =	vgt.s32 v12, v16  }
0xf7: {  	v31 =	vor.u32 $0x1, v61;
	v1 =	vmovc v16;
	v16 =	vld [tilespmem:$0x1FE70];
	vm15 =	vgt.s32 v4, v36;
	vm11 =	vgt.s32 v5, v38  }
0xf8: {  	v4 =	vsel vm11, v56, v63;
	vm11 =	vgt.s32 v13, v49;
	vm12 =	vgt.s32 v41, v50  }
0xf9: {  	v41 =	vor.u32 $0x2, v8;
	v58 =	vmul.u32 v22, v0;
	v0 =	vor.u32 $0x2, v7  }
0xfa: {  	v0 =	vsel vm10, v7, v0;
	v7 =	vmul.u32 v23, v40;
	v23 =	vor.u32 $0x2, v55  }
0xfb: {  	v5 =	vsel vm11, v8, v41;
	v8 =	vsel vm12, v55, v23;
	v55 =	vmul.u32 v30, v18;
	v18 =	vld [tilespmem:$0x1FED0];
	_ =	sdelay $0x2  }
0xfc: {  	v57 =	vld.idx.msk [tilespmem:v31+s13+$0x0], $0xffff  }
0xfd: {  	v31 =	vld.idx.msk [tilespmem:v16+s16+$0x0], $0xffff  }
0xfe: {  	v12 =	vor.u32 $0x2, v52;
	v53 =	vmul.u32 v53, v18;
	v18 =	vld [tilespmem:$0x1FEE0]  }
0xff: {  	v12 =	vsel vm9, v52, v12;
	vm9 =	vgt.s32 v14, v47;
	v14 =	vld [tilespmem:$0x1FE80]  }
0x100: {  	v9 =	vor.u32 $0x2, v11;
	v52 =	vld.idx.msk [tilespmem:v16+s15+$0x0], $0xffff;
	v16 =	vor.u32 $0x2, v62  }
0x101: {  	v9 =	vsel vm13, v11, v9;
	v11 =	vsel vm14, v62, v16;
	v16 =	vor.u32 $0x2, v3  }
0x102: {  	v3 =	vsel vm15, v3, v16;
	v16 =	vor.u32 $0x2, v59  }
0x103: {  	v63 =	vor.u32 $0x2, v29;
	v16 =	vsel vm6, v59, v16;
	v59 =	vmul.u32 v31, v18;
	v18 =	vld [tilespmem:$0x1FEF0]  }
0x104: {  	vm7 =	vgt.s32 v57, v46;
	v57 =	vsel vm9, v29, v63;
	v63 =	vld [tilespmem:$0x1FE90];
	_ =	sdelay $0x2  }
0x105: {  	vm8 =	vgt.s32 v10, v45;
	v10 =	vld.idx.msk [tilespmem:v14+s16+$0x0], $0xffff  }
0x106: {  	v60 =	vadd.s32 v25, v18;
	v18 =	vld [tilespmem:$0x1FF00];
	_ =	sdelay $0x2  }
0x107: {  	v27 =	vor.u32 $0x2, v6;
	v13 =	vld.idx.msk [tilespmem:v12+s13+$0x0], $0xffff  }
0x108: {  	v6 =	vsel vm8, v6, v27;
	v27 =	vld.idx.msk [tilespmem:v63+s16+$0x0], $0xffff  }
0x109: {  	v10 =	vmul.u32 v10, v18;
	v18 =	vld [tilespmem:$0x1FF10]  }
0x10a: {  	v29 =	vld.idx.msk [tilespmem:v20+s13+$0x0], $0xffff;
	_ =	sdelay $0x2  }
0x10b: {  	v56 =	vld.idx.msk [tilespmem:v14+s15+$0x0], $0xffff;
	v14 =	vor.u32 $0x2, v61  }
0x10c: {  	vm14 =	vle.s32 v13, v1;
	v14 =	vsel vm7, v61, v14;
	v61 =	vmul.u32 v27, v18;
	v18 =	vld [tilespmem:$0x1FF20]  }
0x10d: {  	vm15 =	vle.s32 v29, v32;
	v22 =	vld.idx.msk [tilespmem:v2+s13+$0x0], $0xffff;
	v13 =	vsel vm14, $0x1, v17  }
0x10e: {  	v23 =	vld.idx.msk [tilespmem:v4+s13+$0x0], $0xffff;
	v30 =	vor.u32 v13, v12;
	v12 =	vsel vm15, $0x1, v17  }
0x10f: {  	v29 =	vor.u32 v12, v20;
	v20 =	vld.idx.msk [tilespmem:v57+s13+$0x0], $0xffff  }
0x110: {  	v25 =	vld.idx.msk [tilespmem:v54+s13+$0x0], $0xffff  }
0x111: {  	v62 =	vadd.s32 v24, v18;
	v18 =	vld [tilespmem:$0x1FF30]  }
0x112: {  	vm13 =	vle.s32 v22, v19;
	v22 =	vld.idx.msk [tilespmem:v9+s13+$0x0], $0xffff  }
0x113: {  	v13 =	vld.idx.msk [tilespmem:v14+s13+$0x0], $0xffff  }
0x114: {  	v31 =	vld.idx.msk [tilespmem:v0+s13+$0x0], $0xffff;
	v24 =	vsel vm13, $0x1, v17  }
0x115: {  	v40 =	vadd.s32 v26, v28;
	vm4 =	vle.s32 v23, v38;
	v28 =	vor.u32 v24, v2;
	v2 =	vld.idx.msk [tilespmem:v3+s13+$0x0], $0xffff  }
0x116: {  	v23 =	vsel vm4, $0x1, v17;
	vm5 =	vle.s32 v25, v37;
	v41 =	vadd.s32 v21, v18;
	v18 =	vld.idx.msk [tilespmem:v11+s13+$0x0], $0xffff  }
0x117: {  	v25 =	vor.u32 v23, v4;
	v4 =	vld.idx.msk [tilespmem:v6+s13+$0x0], $0xffff;
	v12 =	vsel vm5, $0x1, v17  }
0x118: {  	v26 =	vor.u32 v12, v54;
	v54 =	vld.idx.msk [tilespmem:v30+s17+$0x0], $0xffff  }
0x119: {  	vm6 =	vle.s32 v22, v34;
	v21 =	vld.idx.msk [tilespmem:v16+s13+$0x0], $0xffff  }
0x11a: {  	vm12 =	vle.s32 v20, v47;
	v12 =	vsel vm6, $0x1, v17;
	vm8 =	vle.s32 v2, v36;
	v2 =	vld.idx.msk [tilespmem:v5+s13+$0x0], $0xffff  }
0x11b: {  	vm10 =	vle.s32 v13, v46;
	v27 =	vor.u32 v12, v9;
	vm7 =	vle.s32 v18, v15  }
0x11c: {  	v12 =	vsel vm10, $0x1, v17;
	vm11 =	vle.s32 v4, v45;
	v18 =	vsel vm7, $0x1, v17  }
0x11d: {  	v54 =	vshra.s32 v1, v54;
	v9 =	vsel vm8, $0x1, v17;
	v22 =	vor.u32 v18, v11;
	v11 =	vld.idx.msk [tilespmem:v8+s13+$0x0], $0xffff  }
0x11e: {  	vm13 =	vle.s32 v31, v48;
	v24 =	vor.u32 v9, v3;
	v3 =	vld.idx.msk [tilespmem:v28+s17+$0x0], $0xffff;
	vm9 =	vle.s32 v21, v35  }
0x11f: {  	v13 =	vsel vm13, $0x1, v17;
	v9 =	vsel vm9, $0x1, v17;
	vm14 =	vle.s32 v2, v49  }
0x120: {  	v23 =	vor.u32 v9, v16;
	v18 =	vor.u32 v12, v14;
	v12 =	vsel vm11, $0x1, v17  }
0x121: {  	v16 =	vor.u32 v13, v0;
	v21 =	vor.u32 v12, v6;
	v12 =	vsel vm12, $0x1, v17  }
0x122: {  	v0 =	vsel vm14, $0x1, v17;
	v20 =	vor.u32 v12, v57;
	vm15 =	vle.s32 v11, v50  }
0x123: {  	v1 =	vld [tilespmem:$0x1FF50];
	v12 =	vshra.s32 v19, v3;
	v19 =	vor.u32 v0, v5;
	v0 =	vsel vm15, $0x1, v17  }
0x124: {  	v17 =	vor.u32 v0, v8;
	v0 =	vld [tilespmem:$0x1FF40]  }
0x125: {  	v9 =	vld.idx.msk [tilespmem:v29+s17+$0x0], $0xffff;
	_ =	sdelay $0x2  }
0x126: {  	v42 =	vld.idx.msk [tilespmem:v42+s15+$0x0], $0xffff  }
0x127: {  	v5 =	vadd.s32 v1, v0;
	v1 =	vld [tilespmem:$0x1FF60]  }
0x128: {  	v0 =	vshra.s32 v32, v9;
	v9 =	vld [tilespmem:$0x1FF70]  }
0x129: {  	v44 =	vld.idx.msk [tilespmem:v44+s15+$0x0], $0xffff  }
0x12a: {  	v4 =	vld.idx.msk [tilespmem:v63+s15+$0x0], $0xffff  }
0x12b: {  	v3 =	vld.idx.msk [tilespmem:v27+s17+$0x0], $0xffff  }
0x12c: {  	v11 =	vld [tilespmem:$0x1FF90]  }
0x12d: {  	v9 =	vadd.s32 v9, v1;
	v1 =	vld [tilespmem:$0x1FF80]  }
0x12e: {  	v2 =	vld.idx.msk [tilespmem:v26+s17+$0x0], $0xffff  }
0x12f: {  	v6 =	vld.idx.msk [tilespmem:v25+s17+$0x0], $0xffff  }
0x130: {  	v8 =	vld.idx.msk [tilespmem:v22+s17+$0x0], $0xffff  }
0x131: {  	v32 =	vshra.s32 v34, v3;
	v3 =	vld [tilespmem:$0x1FFB0]  }
0x132: {  	v11 =	vadd.s32 v11, v1;
	v1 =	vld [tilespmem:$0x1FFA0]  }
0x133: {  	v7 =	vadd.s32 v39, v7;
	v63 =	vcvt.s32.f32 v51;
	v34 =	vld.idx.msk [tilespmem:v18+s17+$0x0], $0xffff  }
0x134: {  	v10 =	vadd.s32 v56, v10;
	v51 =	vadd.s32 v52, v59;
	v59 =	vcvt.s32.f32 v40;
	v57 =	vld.idx.msk [tilespmem:v24+s17+$0x0], $0xffff  }
0x135: {  	v52 =	vmul.f32 $1.525878910e-05, v63;
	v13 =	vshra.s32 v37, v2;
	v37 =	vcvt.s32.f32 v7;
	v39 =	vld.idx.msk [tilespmem:v21+s17+$0x0], $0xffff  }
0x136: {  	v31 =	vshra.s32 v38, v6;
	v14 =	vshra.s32 v15, v8;
	v8 =	vld.idx.msk [tilespmem:v20+s17+$0x0], $0xffff;
	v3 =	vcvt.s32.f32 v3  }
0x137: {  	v38 =	vadd.s32 v42, v1;
	v42 =	vadd.s32 v43, v58;
	v43 =	vadd.s32 v44, v55;
	v55 =	vld.idx.msk [tilespmem:v16+s17+$0x0], $0xffff  }
0x138: {  	v56 =	vld.idx.msk [tilespmem:v19+s17+$0x0], $0xffff;
	v15 =	vcvt.s32.f32 v62;
	v63 =	vshra.s32 v46, v34;
	v34 =	vcvt.s32.f32 v51  }
0x139: {  	v2 =	vld.idx.msk [tilespmem:v23+s17+$0x0], $0xffff;
	v40 =	vcvt.s32.f32 v9;
	v3 =	vmul.f32 $1.525878910e-05, v3  }
0x13a: {  	v46 =	vld.idx.msk [tilespmem:v28+s16+$0x0], $0xffff;
	v44 =	vadd.s32 v33, v53;
	v53 =	vadd.s32 v4, v61;
	v1 =	vshra.s32 v45, v39  }
0x13b: {  	v33 =	vshra.s32 v36, v57;
	v57 =	vcvt.s32.f32 v60;
	v4 =	vld.idx.msk [tilespmem:v17+s17+$0x0], $0xffff;
	[tilespmem:$0x1FFC0] =	vst v1;
	v1 =	vshra.s32 v47, v8  }
0x13c: {  	v58 =	vcvt.s32.f32 v41;
	v60 =	vcvt.s32.f32 v5;
	v6 =	vld.idx.msk [tilespmem:v30+s16+$0x0], $0xffff;
	[tilespmem:$0x1FFD0] =	vst v1;
	v1 =	vshra.s32 v48, v55  }
0x13d: {  	v41 =	vcvt.s32.f32 v11;
	v38 =	vcvt.s32.f32 v38;
	v11 =	vld.idx.msk [tilespmem:v29+s16+$0x0], $0xffff;
	[tilespmem:$0x1FFE0] =	vst v1;
	v1 =	vshra.s32 v49, v56  }
0x13e: {  	v39 =	vcvt.s32.f32 v42;
	v36 =	vcvt.s32.f32 v43;
	v42 =	vld.idx.msk [tilespmem:v25+s16+$0x0], $0xffff;
	[tilespmem:$0x1FFF0] =	vst v1  }
0x13f: {  	s30 =	simm.s32 $0x8080;
	v62 =	vshra.s32 v35, v2;
	v2 =	vcvt.s32.f32 v44;
	v35 =	vcvt.s32.f32 v53;
	v43 =	vld.idx.msk [tilespmem:v26+s16+$0x0], $0xffff  }
0x140: {  	s29 =	simm.s32 $0x8180;
	v53 =	vmul.u32 v46, v12;
	v47 =	vmul.f32 $1.525878910e-05, v60;
	[tilespmem:s30+$0x70] =	vst v3;
	v44 =	vld.idx.msk [tilespmem:v27+s16+$0x0], $0xffff;
	v3 =	vmul.f32 $1.525878910e-05, v57  }
0x141: {  	s0 =	sshll.u32 s26, $0xF;
	v51 =	vshra.s32 v50, v4;
	v50 =	vmul.f32 $1.525878910e-05, v15;
	v48 =	vmul.f32 $1.525878910e-05, v58;
	[tilespmem:s29+$0x70] =	vst v52;
	v45 =	vld.idx.msk [tilespmem:v22+s16+$0x0], $0xffff  }
0x142: {  	s31 =	simm.s32 $0x10;
	s28 =	sor.u32 s7, s0;
	s0 =	simm.s32 $0x280;
	v49 =	vmul.f32 $1.525878910e-05, v59;
	v1 =	vcvt.s32.f32 v10;
	v52 =	vmul.u32 v6, v54;
	v46 =	vld.idx.msk [tilespmem:v24+s16+$0x0], $0xffff;
	[tilespmem:s30+$0xFFFFFF80] =	vst v3  }
.LBB2_3:
0x143: {  	_ = 	snop  }
0x144: {  	[tilespmem:$0x1FCD0] =	vst v53  }
0x145: {  	[tilespmem:s30+$0xFFFFFF90] =	vst v50;
	v61 =	vmul.f32 $1.525878910e-05, v41  }
0x146: {  	[tilespmem:s30+$0xFFFFFFB0] =	vst v49;
	v37 =	vmul.f32 $1.525878910e-05, v37  }
0x147: {  	[tilespmem:s30+$0xFFFFFFE0] =	vst v61;
	v3 =	vmul.u32 v42, v31  }
0x148: {  	[tilespmem:s30+$0x10] =	vst v37;
	v31 =	vmul.f32 $1.525878910e-05, v38  }
0x149: {  	v60 =	vld [tilespmem:s0+$0x70];
	v0 =	vmul.u32 v11, v0;
	[tilespmem:$0x1FD60] =	vst v3  }
0x14a: {  	v53 =	vld [tilespmem:s0+$0xFFFFFFB0];
	v3 =	vmul.u32 v43, v13;
	[tilespmem:s30+$0xFFFFFFF0] =	vst v31  }
0x14b: {  	[tilespmem:$0x1FD40] =	vst v0;
	v0 =	vmul.f32 $1.525878910e-05, v40;
	v59 =	vld [tilespmem:s0+$0xFFFFFFF0]  }
0x14c: {  	v57 =	vld [tilespmem:s0+$0xFFFFFFE0];
	[tilespmem:$0x1FD80] =	vst v3;
	v3 =	vmul.u32 v44, v32  }
0x14d: {  	v2 =	vmul.f32 $1.525878910e-05, v2;
	v61 =	vld [tilespmem:s0+$0x10];
	[tilespmem:s30+$0xFFFFFFD0] =	vst v0  }
0x14e: {  	v6 =	vld [tilespmem:s0+$0xFFFFFF90];
	v54 =	vmul.f32 $6.553600000e+04, v60;
	v0 =	vmul.f32 $1.525878910e-05, v1;
	[tilespmem:$0x1FDA0] =	vst v3;
	v3 =	vimm.s32 $0x7  }
0x14f: {  	[tilespmem:s30+$0x30] =	vst v2  }
0x150: {  	v32 =	vtrunc.f32 v54;
	v54 =	vld [tilespmem:s0+$0x30];
	[tilespmem:s30+$0x50] =	vst v0;
	v0 =	vmul.f32 $6.553600000e+04, v59  }
0x151: {  	v58 =	vmul.f32 $6.553600000e+04, v53;
	v53 =	vmul.f32 $6.553600000e+04, v57  }
0x152: {  	[tilespmem:s30+$0xFFFFFFA0] =	vst v48;
	v57 =	vld [tilespmem:s0+$0x50];
	v48 =	vtrunc.f32 v0;
	v0 =	vmul.f32 $6.553600000e+04, v61  }
0x153: {  	v55 =	vmul.f32 $6.553600000e+04, v6;
	v50 =	vld.idx.msk [tilespmem:v3+s13+$0x0], $0xffff;
	v3 =	vmul.u32 v45, v14  }
0x154: {  	v1 =	vmul.f32 $1.525878910e-05, v35;
	v35 =	vtrunc.f32 v0  }
0x155: {  	v0 =	vmul.f32 $6.553600000e+04, v54;
	[tilespmem:$0x1FDC0] =	vst v3;
	v3 =	vmul.u32 v46, v33;
	v33 =	vtrunc.f32 v55  }
0x156: {  	v36 =	vmul.f32 $1.525878910e-05, v36;
	v5 =	vcvt.f32.s32 v33  }
0x157: {  	v33 =	vtrunc.f32 v0;
	v0 =	vmul.f32 $6.553600000e+04, v57  }
0x158: {  	[tilespmem:s30+$0x20] =	vst v36  }
0x159: {  	v54 =	vtrunc.f32 v0;
	v0 =	vld.idx.msk [tilespmem:v21+s16+$0x0], $0xffff;
	_ =	sdelay $0x2  }
0x15a: {  	v61 =	vld [tilespmem:s0+$0xFFFFFF80];
	_ =	sdelay $0x1  }
0x15b: {  	[tilespmem:$0x1FCA0] =	vst v0;
	v0 =	vld.idx.msk [tilespmem:v20+s16+$0x0], $0xffff;
	_ =	sdelay $0x2  }
0x15c: {  	v61 =	vmul.f32 $6.553600000e+04, v61;
	_ =	sdelay $0x1  }
0x15d: {  	[tilespmem:$0x1FCB0] =	vst v0;
	v0 =	vtrunc.f32 v61  }
0x15e: {  	v40 =	vcvt.f32.s32 v0;
	v0 =	vld.idx.msk [tilespmem:v19+s16+$0x0], $0xffff;
	_ =	sdelay $0x3  }
0x15f: {  	[tilespmem:s30+$0x60] =	vst v1  }
0x160: {  	[tilespmem:$0x1FCF0] =	vst v0;
	v0 =	vld.idx.msk [tilespmem:v17+s16+$0x0], $0xffff;
	_ =	sdelay $0x1  }
0x161: {  	v7 =	vmul.f32 $1.525878910e-05, v39  }
0x162: {  	[tilespmem:$0x1FD20] =	vst v52;
	v52 =	vld [tilespmem:s0+$0xFFFFFFA0]  }
0x163: {  	[tilespmem:s30+$0x0] =	vst v7;
	v56 =	vld [tilespmem:s0+$0xFFFFFFD0]  }
0x164: {  	[tilespmem:$0x1FD10] =	vst v0;
	v0 =	vld.idx.msk [tilespmem:v28+s15+$0x0], $0xffff  }
0x165: {  	v34 =	vmul.f32 $1.525878910e-05, v34;
	v60 =	vld [tilespmem:s0+$0x0];
	_ =	sdelay $0x1  }
0x166: {  	[tilespmem:s30+$0x40] =	vst v34;
	v31 =	vmul.f32 $6.553600000e+04, v52;
	v52 =	vld [tilespmem:s0+$0x20]  }
0x167: {  	[tilespmem:s30+$0xFFFFFFC0] =	vst v47;
	v2 =	vmul.f32 $6.553600000e+04, v56;
	v56 =	vld [tilespmem:s0+$0x40]  }
0x168: {  	v47 =	vcvt.f32.s32 v32;
	[tilespmem:$0x1FCE0] =	vst v0;
	v0 =	vld.idx.msk [tilespmem:v30+s15+$0x0], $0xffff  }
0x169: {  	v1 =	vmul.f32 $6.553600000e+04, v60  }
0x16a: {  	v4 =	vimm.s32 $0x8;
	v59 =	vld [tilespmem:s0+$0x60];
	vm0 =	vgt.s32 v50, v47  }
0x16b: {  	v49 =	vtrunc.f32 v1;
	v1 =	vmul.f32 $6.553600000e+04, v52;
	v43 =	vsel vm0, $0x0, v4  }
0x16c: {  	v55 =	vor.u32 $0x3, v43  }
0x16d: {  	v7 =	vtrunc.f32 v1;
	v1 =	vmul.f32 $6.553600000e+04, v56;
	[tilespmem:$0x1FD30] =	vst v0;
	v0 =	vld.idx.msk [tilespmem:v29+s15+$0x0], $0xffff;
	_ =	sdelay $0x1  }
0x16e: {  	v60 =	vtrunc.f32 v1;
	v1 =	vmul.f32 $6.553600000e+04, v59;
	_ =	sdelay $0x1  }
0x16f: {  	v6 =	vld.idx.msk [tilespmem:v55+s13+$0x0], $0xffff;
	v55 =	vtrunc.f32 v1  }
0x170: {  	[tilespmem:$0x1FD50] =	vst v0;
	v0 =	vcvt.f32.s32 v54;
	_ =	sdelay $0x1  }
0x171: {  	v54 =	vcvt.f32.s32 v55;
	vm0 =	vgt.s32 v50, v0;
	v55 =	vmov v0;
	v0 =	vld.idx.msk [tilespmem:v22+s15+$0x0], $0xffff;
	_ =	sdelay $0x4  }
0x172: {  	[tilespmem:$0x1FDD0] =	vst v0;
	v0 =	vld.idx.msk [tilespmem:v24+s15+$0x0], $0xffff;
	_ =	sdelay $0x4  }
0x173: {  	[tilespmem:$0x1FDF0] =	vst v0;
	v0 =	vld.idx.msk [tilespmem:v23+s15+$0x0], $0xffff;
	_ =	sdelay $0x4  }
0x174: {  	[tilespmem:$0x1FE00] =	vst v0;
	v0 =	vld.idx.msk [tilespmem:v18+s15+$0x0], $0xffff;
	_ =	sdelay $0x4  }
0x175: {  	[tilespmem:$0x1FE10] =	vst v0;
	v0 =	vld.idx.msk [tilespmem:v21+s15+$0x0], $0xffff  }
0x176: {  	vm12 =	vgt.s32 v50, v5  }
0x177: {  	v32 =	vsel vm12, $0x0, v4  }
0x178: {  	v44 =	vtrunc.f32 v2;
	v2 =	vor.u32 $0x4, v32  }
0x179: {  	[tilespmem:$0x1FC70] =	vst v2;
	v2 =	vld.idx.msk [tilespmem:v23+s16+$0x0], $0xffff  }
0x17a: {  	v1 =	vor.u32 $0x4, v43;
	vm13 =	vgt.s32 v6, v47;
	[tilespmem:$0x1FE20] =	vst v0;
	v0 =	vld.idx.msk [tilespmem:v20+s15+$0x0], $0xffff  }
0x17b: {  	v56 =	vsel vm13, v43, v1  }
0x17c: {  	v57 =	vor.u32 $0x1, v56  }
0x17d: {  	v37 =	vtrunc.f32 v31;
	v14 =	vld [tilespmem:s0+$0xFFFFFFC0]  }
0x17e: {  	v36 =	vtrunc.f32 v58;
	v42 =	vcvt.f32.s32 v37;
	[tilespmem:$0x1FC80] =	vst v2;
	v2 =	vld.idx.msk [tilespmem:v18+s16+$0x0], $0xffff  }
0x17f: {  	v34 =	vtrunc.f32 v53;
	v41 =	vcvt.f32.s32 v48;
	[tilespmem:$0x1FE30] =	vst v0;
	v0 =	vld.idx.msk [tilespmem:v16+s15+$0x0], $0xffff  }
0x180: {  	v48 =	vcvt.f32.s32 v49;
	v46 =	vcvt.f32.s32 v36;
	v1 =	vld.idx.msk [tilespmem:v25+s15+$0x0], $0xffff  }
0x181: {  	[tilespmem:$0x1FD00] =	vst v51;
	v51 =	vcvt.f32.s32 v7;
	v52 =	vcvt.f32.s32 v33;
	v30 =	vld.idx.msk [tilespmem:v57+s13+$0x0], $0xffff  }
0x182: {  	vm1 =	vgt.s32 v50, v42;
	vm2 =	vgt.s32 v50, v46;
	vm6 =	vgt.s32 v50, v41  }
0x183: {  	v14 =	vmul.f32 $6.553600000e+04, v14;
	vm7 =	vgt.s32 v50, v48;
	vm9 =	vgt.s32 v50, v51;
	[tilespmem:$0x1FC90] =	vst v2;
	v2 =	vld.idx.msk [tilespmem:v16+s16+$0x0], $0xffff  }
0x184: {  	vm10 =	vgt.s32 v50, v52;
	v15 =	vsel vm6, $0x0, v4;
	vm14 =	vgt.s32 v50, v40;
	[tilespmem:$0x1FE40] =	vst v0;
	v0 =	vld.idx.msk [tilespmem:v19+s15+$0x0], $0xffff  }
0x185: {  	v59 =	vsel vm9, $0x0, v4;
	v14 =	vtrunc.f32 v14;
	[tilespmem:$0x1FD70] =	vst v1;
	v1 =	vld.idx.msk [tilespmem:v26+s15+$0x0], $0xffff;
	v26 =	vsel vm14, $0x0, v4  }
0x186: {  	v61 =	vor.u32 $0x3, v26;
	vm15 =	vgt.s32 v30, v47;
	v30 =	vor.u32 $0x2, v56  }
0x187: {  	v58 =	vor.u32 $0x3, v32;
	v53 =	vcvt.f32.s32 v60;
	v30 =	vsel vm15, v56, v30  }
0x188: {  	v60 =	vsel vm10, $0x0, v4;
	v7 =	vor.u32 $0x3, v15;
	v45 =	vcvt.f32.s32 v14;
	[tilespmem:$0x1FCC0] =	vst v2  }
0x189: {  	v13 =	vor.u32 $0x4, v15;
	v43 =	vcvt.f32.s32 v44;
	v2 =	vcvt.f32.s32 v35;
	[tilespmem:$0x1FE50] =	vst v0;
	v0 =	vld.idx.msk [tilespmem:v17+s15+$0x0], $0xffff  }
0x18a: {  	vm11 =	vgt.s32 v50, v53;
	vm3 =	vgt.s32 v50, v45;
	v44 =	vcvt.f32.s32 v34;
	[tilespmem:$0x1FD90] =	vst v1;
	v1 =	vld.idx.msk [tilespmem:v27+s15+$0x0], $0xffff  }
0x18b: {  	vm4 =	vgt.s32 v50, v43;
	vm8 =	vgt.s32 v50, v2;
	v61 =	vld.idx.msk [tilespmem:v61+s13+$0x0], $0xffff;
	v57 =	vmovc v2;
	v2 =	vsel vm3, $0x0, v4  }
0x18c: {  	vm5 =	vgt.s32 v50, v44;
	v56 =	vmovc v63;
	v63 =	vor.u32 $0x3, v2;
	v9 =	vld.idx.msk [tilespmem:v30+s13+$0x0], $0xffff;
	v22 =	vsel vm1, $0x0, v4  }
0x18d: {  	[tilespmem:$0x1FDE0] =	vst v3;
	v11 =	vld.idx.msk [tilespmem:v58+s13+$0x0], $0xffff;
	vm12 =	vgt.s32 v50, v54;
	v50 =	vmovc v62;
	v62 =	vor.u32 $0x3, v22;
	v23 =	vsel vm7, $0x0, v4  }
0x18e: {  	v3 =	vsel vm5, $0x0, v4;
	v27 =	vsel vm2, $0x0, v4;
	v12 =	vor.u32 $0x3, v23;
	[tilespmem:$0x1FE60] =	vst v0;
	v0 =	vld [tilespmem:$0x1FC70]  }
0x18f: {  	v14 =	vor.u32 $0x3, v59;
	v10 =	vor.u32 $0x4, v3;
	v16 =	vor.u32 $0x3, v27  }
0x190: {  	v7 =	vld.idx.msk [tilespmem:v7+s13+$0x0], $0xffff;
	[tilespmem:$0x1FDB0] =	vst v1;
	v1 =	vor.u32 $0x4, v26;
	vm6 =	vgt.s32 v61, v40;
	v19 =	vor.u32 $0x3, v3  }
0x191: {  	v29 =	vor.u32 $0x3, v60;
	v63 =	vld.idx.msk [tilespmem:v63+s13+$0x0], $0xffff;
	vm5 =	vle.s32 v9, v47;
	v24 =	vsel vm4, $0x0, v4  }
0x192: {  	vm4 =	vgt.s32 v11, v5;
	v62 =	vld.idx.msk [tilespmem:v62+s13+$0x0], $0xffff;
	v21 =	vsel vm11, $0x0, v4;
	v20 =	vsel vm12, $0x0, v4  }
0x193: {  	v12 =	vld.idx.msk [tilespmem:v12+s13+$0x0], $0xffff;
	v37 =	vor.u32 $0x3, v20;
	v9 =	vsel vm4, v32, v0;
	v32 =	vimm.s32 $0x0  }
0x194: {  	v1 =	vsel vm6, v26, v1;
	v34 =	vor.u32 $0x3, v21;
	v16 =	vld.idx.msk [tilespmem:v16+s13+$0x0], $0xffff;
	v0 =	vsel vm5, $0x1, v32  }
0x195: {  	v58 =	vsel vm8, $0x0, v4;
	v19 =	vld.idx.msk [tilespmem:v19+s13+$0x0], $0xffff;
	v0 =	vor.u32 v0, v30;
	v30 =	vor.u32 $0x1, v1  }
0x196: {  	v14 =	vld.idx.msk [tilespmem:v14+s13+$0x0], $0xffff;
	v6 =	vor.u32 $0x4, v2;
	vm9 =	vgt.s32 v63, v45;
	v17 =	vor.u32 $0x3, v58  }
0x197: {  	v49 =	vmovc v5;
	v63 =	vld.idx.msk [tilespmem:v29+s13+$0x0], $0xffff;
	v11 =	vor.u32 $0x4, v22;
	v5 =	vor.u32 $0x4, v27;
	v2 =	vsel vm9, v2, v6  }
0x198: {  	v6 =	vor.u32 $0x1, v2;
	vm7 =	vgt.s32 v62, v42;
	vm12 =	vgt.s32 v7, v41;
	v62 =	vld.idx.msk [tilespmem:v37+s13+$0x0], $0xffff  }
0x199: {  	vm13 =	vgt.s32 v12, v48;
	v13 =	vsel vm12, v15, v13;
	v12 =	vld.idx.msk [tilespmem:v34+s13+$0x0], $0xffff;
	vm8 =	vgt.s32 v16, v46  }
0x19a: {  	v15 =	vor.u32 $0x1, v13;
	v5 =	vsel vm8, v27, v5;
	vm11 =	vgt.s32 v19, v44;
	v29 =	vld.idx.msk [tilespmem:v30+s13+$0x0], $0xffff  }
0x19b: {  	v11 =	vsel vm7, v22, v11;
	v22 =	vor.u32 $0x1, v5;
	v16 =	vld.idx.msk [tilespmem:v17+s13+$0x0], $0xffff;
	v3 =	vsel vm11, v3, v10  }
0x19c: {  	v31 =	vor.u32 $0x4, v59;
	v33 =	vor.u32 $0x4, v60;
	v10 =	vor.u32 $0x1, v3  }
0x19d: {  	v28 =	vor.u32 $0x4, v58;
	v39 =	vor.u32 $0x4, v20;
	vm7 =	vgt.s32 v62, v54  }
0x19e: {  	vm15 =	vgt.s32 v14, v51;
	v25 =	vor.u32 $0x4, v23;
	v6 =	vld.idx.msk [tilespmem:v6+s13+$0x0], $0xffff;
	v20 =	vsel vm7, v20, v39  }
0x19f: {  	v23 =	vsel vm13, v23, v25;
	v15 =	vld.idx.msk [tilespmem:v15+s13+$0x0], $0xffff;
	vm8 =	vgt.s32 v29, v40;
	v29 =	vor.u32 $0x1, v20  }
0x1a0: {  	vm14 =	vgt.s32 v16, v57;
	vm4 =	vgt.s32 v63, v52;
	vm5 =	vgt.s32 v12, v53;
	v12 =	vld.idx.msk [tilespmem:v22+s13+$0x0], $0xffff  }
0x1a1: {  	v25 =	vsel vm14, v58, v28;
	v28 =	vsel vm15, v59, v31;
	v31 =	vsel vm4, v60, v33;
	v60 =	vld.idx.msk [tilespmem:v10+s13+$0x0], $0xffff  }
0x1a2: {  	v18 =	vsel vm0, $0x0, v4;
	v4 =	vor.u32 $0x3, v24;
	v19 =	vld.idx.msk [tilespmem:v0+s17+$0x0], $0xffff  }
0x1a3: {  	v7 =	vld.idx.msk [tilespmem:v0+s16+$0x0], $0xffff  }
0x1a4: {  	vm15 =	vgt.s32 v15, v41;
	v27 =	vor.u32 $0x1, v25;
	v15 =	vld.idx.msk [tilespmem:v29+s13+$0x0], $0xffff  }
0x1a5: {  	v0 =	vld.idx.msk [tilespmem:v0+s15+$0x0], $0xffff  }
0x1a6: {  	v35 =	vor.u32 $0x3, v18;
	vm12 =	vgt.s32 v6, v45  }
0x1a7: {  	v4 =	vld.idx.msk [tilespmem:v4+s13+$0x0], $0xffff;
	v16 =	vor.u32 $0x1, v23;
	v22 =	vor.u32 $0x2, v2;
	v19 =	vshra.s32 v47, v19  }
0x1a8: {  	v2 =	vsel vm12, v2, v22;
	v22 =	vld [tilespmem:$0x1FCB0];
	vm11 =	vgt.s32 v12, v46;
	v7 =	vmul.u32 v7, v19  }
0x1a9: {  	v12 =	vld.idx.msk [tilespmem:v27+s13+$0x0], $0xffff;
	vm14 =	vgt.s32 v60, v44;
	v60 =	vor.u32 $0x2, v20;
	vm12 =	vgt.s32 v15, v54  }
0x1aa: {  	v0 =	vadd.s32 v0, v7;
	v7 =	vsel vm12, v20, v60;
	v20 =	vld [tilespmem:$0x1FFD0];
	_ =	sdelay $0x2  }
0x1ab: {  	v8 =	vor.u32 $0x4, v24;
	v14 =	vld.idx.msk [tilespmem:v35+s13+$0x0], $0xffff  }
0x1ac: {  	vm10 =	vgt.s32 v4, v43;
	v33 =	vor.u32 $0x2, v13;
	v16 =	vld.idx.msk [tilespmem:v16+s13+$0x0], $0xffff;
	vm7 =	vgt.s32 v12, v57  }
0x1ad: {  	v12 =	vsel vm15, v13, v33;
	v0 =	vcvt.s32.f32 v0;
	v33 =	vmul.u32 v22, v20;
	v20 =	vld [tilespmem:$0x1FFE0]  }
0x1ae: {  	v8 =	vsel vm10, v24, v8;
	v22 =	vld [tilespmem:$0x1FCC0]  }
0x1af: {  	v24 =	vor.u32 $0x1, v8;
	v0 =	vmul.f32 $1.525878910e-05, v0  }
0x1b0: {  	s30 =	smov.u32 s29;
	s29 =	sadd.s32 $0x100, s29;
	v38 =	vor.u32 $0x4, v18;
	vm6 =	vgt.s32 v14, v55  }
0x1b1: {  	v18 =	vsel vm6, v18, v38;
	vm6 =	vgt.s32 v16, v48;
	[tilespmem:s29+$0x70] =	vst v0;
	v0 =	vor.u32 $0x2, v23  }
0x1b2: {  	v0 =	vsel vm6, v23, v0;
	v23 =	vld [tilespmem:$0x1FCE0]  }
0x1b3: {  	v34 =	vmul.u32 v22, v20;
	v22 =	vld [tilespmem:$0x1FCD0]  }
0x1b4: {  	v14 =	vld.idx.msk [tilespmem:v24+s13+$0x0], $0xffff;
	_ =	sdelay $0x1  }
0x1b5: {  	v17 =	vor.u32 $0x1, v11  }
0x1b6: {  	v61 =	vor.u32 $0x1, v9  }
0x1b7: {  	v10 =	vor.u32 $0x1, v18;
	v35 =	vadd.s32 v23, v22;
	v22 =	vld [tilespmem:$0x1FFF0]  }
0x1b8: {  	v24 =	vor.u32 $0x2, v8;
	vm13 =	vgt.s32 v14, v43;
	v23 =	vld [tilespmem:$0x1FCF0]  }
0x1b9: {  	v36 =	vor.u32 $0x4, v21;
	v8 =	vsel vm13, v8, v24;
	v24 =	vld [tilespmem:$0x1FD70]  }
0x1ba: {  	v17 =	vld.idx.msk [tilespmem:v17+s13+$0x0], $0xffff;
	v58 =	vor.u32 $0x1, v31;
	v21 =	vsel vm5, v21, v36  }
0x1bb: {  	v59 =	vor.u32 $0x1, v21;
	v63 =	vld.idx.msk [tilespmem:v61+s13+$0x0], $0xffff  }
0x1bc: {  	v30 =	vor.u32 $0x1, v28;
	v10 =	vld.idx.msk [tilespmem:v10+s13+$0x0], $0xffff  }
0x1bd: {  	v36 =	vmul.u32 v23, v22;
	v22 =	vld [tilespmem:$0x1FD00]  }
0x1be: {  	v37 =	vor.u32 $0x2, v5;
	v26 =	vor.u32 $0x2, v9;
	v23 =	vld [tilespmem:$0x1FD10]  }
0x1bf: {  	vm10 =	vgt.s32 v17, v42;
	v17 =	vor.u32 $0x2, v3;
	v14 =	vld.idx.msk [tilespmem:v58+s13+$0x0], $0xffff;
	v5 =	vsel vm11, v5, v37  }
0x1c0: {  	v59 =	vld.idx.msk [tilespmem:v59+s13+$0x0], $0xffff;
	v3 =	vsel vm14, v3, v17;
	vm9 =	vgt.s32 v63, v49;
	v63 =	vor.u32 $0x2, v18  }
0x1c1: {  	v47 =	vor.u32 $0x2, v1;
	v61 =	vld.idx.msk [tilespmem:v30+s13+$0x0], $0xffff;
	v9 =	vsel vm9, v9, v26;
	vm11 =	vgt.s32 v10, v55  }
0x1c2: {  	v1 =	vsel vm8, v1, v47;
	v39 =	vsel vm11, v18, v63;
	v18 =	vld [tilespmem:$0x1FCA0]  }
0x1c3: {  	v37 =	vmul.u32 v23, v22;
	v22 =	vld [tilespmem:$0x1FD20]  }
0x1c4: {  	v23 =	vld [tilespmem:$0x1FD30]  }
0x1c5: {  	v19 =	vor.u32 $0x2, v11;
	v63 =	vld.idx.msk [tilespmem:v3+s13+$0x0], $0xffff  }
0x1c6: {  	vm9 =	vgt.s32 v14, v52;
	v11 =	vsel vm10, v11, v19;
	v14 =	vld.idx.msk [tilespmem:v9+s13+$0x0], $0xffff  }
0x1c7: {  	vm8 =	vgt.s32 v61, v51;
	v61 =	vld.idx.msk [tilespmem:v1+s13+$0x0], $0xffff  }
0x1c8: {  	v15 =	vld [tilespmem:$0x1FFC0]  }
0x1c9: {  	v38 =	vadd.s32 v23, v22;
	v22 =	vld [tilespmem:$0x1FD40]  }
0x1ca: {  	v23 =	vld [tilespmem:$0x1FD50]  }
0x1cb: {  	v62 =	vor.u32 $0x2, v31;
	v58 =	vor.u32 $0x2, v21;
	vm10 =	vgt.s32 v59, v53;
	v19 =	vld.idx.msk [tilespmem:v11+s13+$0x0], $0xffff  }
0x1cc: {  	v27 =	vor.u32 $0x2, v25;
	v17 =	vsel vm9, v31, v62;
	v31 =	vsel vm10, v21, v58;
	v21 =	vld.idx.msk [tilespmem:v5+s13+$0x0], $0xffff  }
0x1cd: {  	v30 =	vor.u32 $0x2, v28;
	v13 =	vsel vm7, v25, v27;
	v15 =	vmul.u32 v18, v15;
	v18 =	vld.idx.msk [tilespmem:v2+s13+$0x0], $0xffff  }
0x1ce: {  	v16 =	vsel vm8, v28, v30;
	vm7 =	vle.s32 v63, v44;
	vm13 =	vle.s32 v61, v40;
	v20 =	vld.idx.msk [tilespmem:v8+s13+$0x0], $0xffff  }
0x1cf: {  	vm14 =	vle.s32 v14, v49;
	v14 =	vld.idx.msk [tilespmem:v12+s13+$0x0], $0xffff;
	v47 =	vadd.s32 v23, v22;
	v22 =	vsel vm13, $0x1, v32  }
0x1d0: {  	vm15 =	vle.s32 v19, v42;
	v19 =	vld.idx.msk [tilespmem:v0+s13+$0x0], $0xffff;
	v28 =	vor.u32 v22, v1;
	v1 =	vsel vm14, $0x1, v32  }
0x1d1: {  	vm4 =	vle.s32 v21, v46;
	v23 =	vld [tilespmem:$0x1FD60];
	v30 =	vor.u32 v1, v9;
	v1 =	vsel vm15, $0x1, v32  }
0x1d2: {  	vm5 =	vle.s32 v18, v45;
	v9 =	vld.idx.msk [tilespmem:v13+s13+$0x0], $0xffff;
	v29 =	vor.u32 v1, v11;
	v1 =	vsel vm4, $0x1, v32  }
0x1d3: {  	vm6 =	vle.s32 v20, v43;
	v25 =	vor.u32 v1, v5;
	v1 =	vsel vm5, $0x1, v32  }
0x1d4: {  	vm8 =	vle.s32 v14, v41;
	v26 =	vor.u32 v1, v2;
	v1 =	vsel vm6, $0x1, v32  }
0x1d5: {  	v60 =	vld.idx.msk [tilespmem:v17+s13+$0x0], $0xffff;
	vm9 =	vle.s32 v19, v48;
	v27 =	vor.u32 v1, v8;
	v1 =	vsel vm7, $0x1, v32  }
0x1d6: {  	v11 =	vld.idx.msk [tilespmem:v16+s13+$0x0], $0xffff;
	v58 =	vadd.s32 v24, v23;
	v22 =	vor.u32 v1, v3;
	v1 =	vsel vm8, $0x1, v32  }
0x1d7: {  	v2 =	vld.idx.msk [tilespmem:v31+s13+$0x0], $0xffff;
	vm10 =	vle.s32 v9, v57;
	v24 =	vor.u32 v1, v12;
	v1 =	vsel vm9, $0x1, v32  }
0x1d8: {  	v12 =	vld [tilespmem:$0x1FDA0];
	v23 =	vor.u32 v1, v0;
	v0 =	vsel vm10, $0x1, v32  }
0x1d9: {  	v18 =	vor.u32 v0, v13;
	v13 =	vld [tilespmem:$0x1FDB0]  }
0x1da: {  	v61 =	vld.idx.msk [tilespmem:v39+s13+$0x0], $0xffff  }
0x1db: {  	v3 =	vld.idx.msk [tilespmem:v7+s13+$0x0], $0xffff  }
0x1dc: {  	v8 =	vld.idx.msk [tilespmem:v28+s17+$0x0], $0xffff;
	vm11 =	vle.s32 v11, v51  }
0x1dd: {  	v14 =	vld [tilespmem:$0x1FDD0];
	vm12 =	vle.s32 v60, v52;
	v0 =	vsel vm11, $0x1, v32;
	vm13 =	vle.s32 v2, v53  }
0x1de: {  	v21 =	vor.u32 v0, v16;
	v0 =	vsel vm12, $0x1, v32;
	v12 =	vadd.s32 v13, v12;
	v13 =	vld [tilespmem:$0x1FDC0]  }
0x1df: {  	vm14 =	vle.s32 v61, v55;
	v20 =	vor.u32 v0, v17;
	v0 =	vsel vm13, $0x1, v32  }
0x1e0: {  	v1 =	vld.idx.msk [tilespmem:v29+s17+$0x0], $0xffff;
	vm15 =	vle.s32 v3, v54;
	v16 =	vor.u32 v0, v31;
	v0 =	vsel vm14, $0x1, v32  }
0x1e1: {  	v3 =	vshra.s32 v40, v8;
	v40 =	vld [tilespmem:$0x1FD90];
	v19 =	vor.u32 v0, v39;
	v0 =	vsel vm15, $0x1, v32  }
0x1e2: {  	v17 =	vor.u32 v0, v7;
	v0 =	vld [tilespmem:$0x1FD80]  }
0x1e3: {  	v39 =	vadd.s32 v14, v13;
	v13 =	vld [tilespmem:$0x1FDE0]  }
0x1e4: {  	v14 =	vld [tilespmem:$0x1FDF0];
	_ =	sdelay $0x1  }
0x1e5: {  	v62 =	vld [tilespmem:$0x1FC80]  }
0x1e6: {  	v10 =	vld [tilespmem:$0x1FC90];
	_ =	sdelay $0x1  }
0x1e7: {  	v7 =	vadd.s32 v40, v0;
	v0 =	vshra.s32 v42, v1;
	v42 =	vadd.s32 v14, v13;
	v14 =	vld [tilespmem:$0x1FE10]  }
0x1e8: {  	v9 =	vld.idx.msk [tilespmem:v30+s17+$0x0], $0xffff  }
0x1e9: {  	v4 =	vmul.u32 v62, v50;
	v50 =	vmov v49;
	v49 =	vmov v57;
	v57 =	vld.idx.msk [tilespmem:v28+s16+$0x0], $0xffff  }
0x1ea: {  	v10 =	vmul.u32 v10, v56;
	v62 =	vld.idx.msk [tilespmem:v25+s17+$0x0], $0xffff  }
0x1eb: {  	v2 =	vld.idx.msk [tilespmem:v26+s17+$0x0], $0xffff  }
0x1ec: {  	v10 =	vadd.s32 v14, v10;
	v14 =	vld [tilespmem:$0x1FE20]  }
0x1ed: {  	v63 =	vld.idx.msk [tilespmem:v27+s17+$0x0], $0xffff  }
0x1ee: {  	v8 =	vld.idx.msk [tilespmem:v22+s17+$0x0], $0xffff  }
0x1ef: {  	v11 =	vld.idx.msk [tilespmem:v24+s17+$0x0], $0xffff  }
0x1f0: {  	v1 =	vld.idx.msk [tilespmem:v23+s17+$0x0], $0xffff  }
0x1f1: {  	v15 =	vadd.s32 v14, v15;
	v14 =	vld [tilespmem:$0x1FE30]  }
0x1f2: {  	v13 =	vld [tilespmem:$0x1FE00]  }
0x1f3: {  	v31 =	vshra.s32 v46, v62;
	v46 =	vld [tilespmem:$0x1FE60]  }
0x1f4: {  	v5 =	vld.idx.msk [tilespmem:v18+s17+$0x0], $0xffff  }
0x1f5: {  	v35 =	vcvt.s32.f32 v35;
	v62 =	vshra.s32 v48, v1;
	v48 =	vld.idx.msk [tilespmem:v17+s17+$0x0], $0xffff  }
0x1f6: {  	v9 =	vshra.s32 v50, v9;
	v32 =	vshra.s32 v43, v63;
	v43 =	vadd.s32 v14, v33;
	v14 =	vld [tilespmem:$0x1FE40]  }
0x1f7: {  	v50 =	vcvt.s32.f32 v38;
	v4 =	vadd.s32 v13, v4;
	v13 =	vshra.s32 v45, v2;
	v45 =	vld [tilespmem:$0x1FE50]  }
0x1f8: {  	v47 =	vcvt.s32.f32 v47;
	v56 =	vcvt.s32.f32 v58;
	v2 =	vld.idx.msk [tilespmem:v21+s17+$0x0], $0xffff  }
0x1f9: {  	v61 =	vmul.f32 $1.525878910e-05, v35;
	v50 =	vmul.f32 $1.525878910e-05, v50;
	v6 =	vld.idx.msk [tilespmem:v20+s17+$0x0], $0xffff  }
0x1fa: {  	v60 =	vld.idx.msk [tilespmem:v30+s16+$0x0], $0xffff;
	v63 =	vshra.s32 v49, v5;
	v40 =	vcvt.s32.f32 v12;
	v49 =	vmul.f32 $1.525878910e-05, v56  }
0x1fb: {  	v58 =	vcvt.s32.f32 v7;
	v34 =	vadd.s32 v14, v34;
	v14 =	vshra.s32 v44, v8;
	v8 =	vld.idx.msk [tilespmem:v16+s17+$0x0], $0xffff  }
0x1fc: {  	s31 =	sadd.s32 $0x10, s31;
	v38 =	vcvt.s32.f32 v42;
	v44 =	vadd.s32 v45, v36;
	v45 =	vadd.s32 v46, v37;
	v46 =	vld.idx.msk [tilespmem:v19+s17+$0x0], $0xffff  }
0x1fd: {  	p1 =	slt.u32 s31, $0x3F0;
	v42 =	vld.idx.msk [tilespmem:v25+s16+$0x0], $0xffff;
	v1 =	vshra.s32 v51, v2;
	v51 =	vshra.s32 v54, v48;
	v48 =	vmul.f32 $1.525878910e-05, v47  }
.Ltmp2:
0x1fe: {  	v47 =	vmul.f32 $1.525878910e-05, v58;
	[tilespmem:$0x1FFC0] =	vst v1;
	v1 =	vshra.s32 v52, v6;
	v33 =	vshra.s32 v41, v11;
	v11 =	vld.idx.msk [tilespmem:v29+s16+$0x0], $0xffff;
	(pc) =	sbr.rel @p1 .LBB2_3-.Ltmp2, $4  }
0x1ff: {  	[tilespmem:s30+$0xFFFFFF80] =	vst v61;
	v52 =	vmul.u32 v60, v9;
	v41 =	vcvt.s32.f32 v39;
	v2 =	vcvt.s32.f32 v43;
	v43 =	vld.idx.msk [tilespmem:v26+s16+$0x0], $0xffff  }
0x200: {  	v59 =	vmovc v55;
	[tilespmem:$0x1FFD0] =	vst v1;
	v39 =	vcvt.s32.f32 v4;
	v35 =	vcvt.s32.f32 v45;
	v45 =	vld.idx.msk [tilespmem:v22+s16+$0x0], $0xffff;
	v1 =	vshra.s32 v53, v8  }
0x201: {  	v37 =	vcvt.s32.f32 v10;
	v36 =	vcvt.s32.f32 v15;
	[tilespmem:$0x1FFE0] =	vst v1;
	v1 =	vshra.s32 v59, v46;
	v46 =	vld.idx.msk [tilespmem:v24+s16+$0x0], $0xffff  }
0x202: {  	s0 =	sadd.s32 $0x100, s0;
	v34 =	vcvt.s32.f32 v34;
	v53 =	vmul.u32 v57, v3;
	[tilespmem:$0x1FFF0] =	vst v1;
	v1 =	vcvt.s32.f32 v44;
	v44 =	vld.idx.msk [tilespmem:v27+s16+$0x0], $0xffff  }
0x203: {  	_ =	sdelay $0x3  }
0x204: {  	v3 =	vld.idx.msk [tilespmem:v23+s16+$0x0], $0xffff  }
0x205: {  	v4 =	vld.idx.msk [tilespmem:v18+s16+$0x0], $0xffff  }
0x206: {  	v5 =	vld.idx.msk [tilespmem:v21+s16+$0x0], $0xffff  }
0x207: {  	v9 =	vld.idx.msk [tilespmem:v16+s16+$0x0], $0xffff  }
0x208: {  	[tilespmem:s30+$0xFFFFFF90] =	vst v50;
	v59 =	vld.idx.msk [tilespmem:v17+s16+$0x0], $0xffff  }
0x209: {  	[tilespmem:s30+$0xFFFFFFA0] =	vst v48;
	v61 =	vld.idx.msk [tilespmem:v28+s15+$0x0], $0xffff  }
0x20a: {  	v6 =	vmul.f32 $1.525878910e-05, v40;
	[tilespmem:s30+$0xFFFFFFB0] =	vst v49;
	v12 =	vmul.f32 $1.525878910e-05, v39;
	v39 =	vld.idx.msk [tilespmem:v30+s15+$0x0], $0xffff  }
0x20b: {  	v8 =	vmul.f32 $1.525878910e-05, v41;
	[tilespmem:s30+$0xFFFFFFC0] =	vst v47;
	v41 =	vld.idx.msk [tilespmem:v29+s15+$0x0], $0xffff  }
0x20c: {  	v10 =	vmul.f32 $1.525878910e-05, v38;
	v25 =	vld.idx.msk [tilespmem:v25+s15+$0x0], $0xffff;
	[tilespmem:s30+$0xFFFFFFD0] =	vst v6  }
0x20d: {  	v26 =	vld.idx.msk [tilespmem:v26+s15+$0x0], $0xffff;
	[tilespmem:s30+$0xFFFFFFE0] =	vst v8  }
0x20e: {  	v15 =	vmul.f32 $1.525878910e-05, v37;
	v27 =	vld.idx.msk [tilespmem:v27+s15+$0x0], $0xffff;
	[tilespmem:s30+$0xFFFFFFF0] =	vst v10  }
0x20f: {  	v0 =	vmul.u32 v11, v0;
	v37 =	vmul.f32 $1.525878910e-05, v36;
	v48 =	vld.idx.msk [tilespmem:v24+s15+$0x0], $0xffff;
	[tilespmem:s30+$0x0] =	vst v12  }
0x210: {  	v60 =	vmul.u32 v42, v31;
	v2 =	vmul.f32 $1.525878910e-05, v2;
	v42 =	vmul.f32 $1.525878910e-05, v35;
	v49 =	vld.idx.msk [tilespmem:v23+s15+$0x0], $0xffff;
	[tilespmem:s30+$0x10] =	vst v15  }
0x211: {  	v50 =	vld.idx.msk [tilespmem:v18+s15+$0x0], $0xffff;
	v13 =	vmul.u32 v43, v13;
	v40 =	vmul.f32 $1.525878910e-05, v34;
	v1 =	vmul.f32 $1.525878910e-05, v1;
	[tilespmem:s30+$0x20] =	vst v37  }
0x212: {  	v14 =	vmul.u32 v45, v14;
	v43 =	vmul.u32 v46, v33;
	v28 =	vld [tilespmem:$0x1FFC0];
	v38 =	vmul.u32 v44, v32  }
0x213: {  	v45 =	vld [tilespmem:$0x1FFE0];
	v3 =	vmul.u32 v3, v62;
	v4 =	vmul.u32 v4, v63;
	v10 =	vadd.s32 v61, v53  }
0x214: {  	v46 =	vld.idx.msk [tilespmem:v22+s15+$0x0], $0xffff;
	v12 =	vadd.s32 v39, v52;
	v8 =	vmul.u32 v59, v51;
	v0 =	vadd.s32 v41, v0  }
0x215: {  	v44 =	vld [tilespmem:$0x1FFD0];
	[tilespmem:s30+$0x30] =	vst v2;
	v11 =	vadd.s32 v25, v60;
	v10 =	vcvt.s32.f32 v10;
	v12 =	vcvt.s32.f32 v12  }
0x216: {  	v47 =	vld [tilespmem:$0x1FFF0];
	[tilespmem:s30+$0x40] =	vst v40;
	v13 =	vadd.s32 v26, v13;
	v0 =	vcvt.s32.f32 v0;
	v11 =	vcvt.s32.f32 v11  }
0x217: {  	v7 =	vld.idx.msk [tilespmem:v20+s16+$0x0], $0xffff;
	[tilespmem:s30+$0x50] =	vst v1;
	v52 =	vadd.s32 v27, v38;
	v13 =	vcvt.s32.f32 v13;
	v10 =	vmul.f32 $1.525878910e-05, v10  }
0x218: {  	v58 =	vld.idx.msk [tilespmem:v19+s16+$0x0], $0xffff;
	[tilespmem:s30+$0x60] =	vst v42;
	v56 =	vadd.s32 v48, v43;
	v54 =	vcvt.s32.f32 v52;
	v12 =	vmul.f32 $1.525878910e-05, v12  }
0x219: {  	v51 =	vld.idx.msk [tilespmem:v21+s15+$0x0], $0xffff;
	v1 =	vadd.s32 v49, v3;
	v4 =	vadd.s32 v50, v4;
	v0 =	vmul.f32 $1.525878910e-05, v0;
	[tilespmem:s29+$0xFFFFFF80] =	vst v10  }
0x21a: {  	v53 =	vld.idx.msk [tilespmem:v20+s15+$0x0], $0xffff;
	v5 =	vmul.u32 v5, v28;
	v9 =	vmul.u32 v9, v45;
	v11 =	vmul.f32 $1.525878910e-05, v11;
	[tilespmem:s29+$0xFFFFFF90] =	vst v12  }
0x21b: {  	v59 =	vld.idx.msk [tilespmem:v17+s15+$0x0], $0xffff;
	v2 =	vadd.s32 v46, v14;
	v13 =	vmul.f32 $1.525878910e-05, v13;
	v1 =	vcvt.s32.f32 v1;
	[tilespmem:s29+$0xFFFFFFA0] =	vst v0  }
0x21c: {  	v55 =	vld.idx.msk [tilespmem:v16+s15+$0x0], $0xffff;
	v4 =	vcvt.s32.f32 v4;
	v7 =	vmul.u32 v7, v44;
	v14 =	vmul.f32 $1.525878910e-05, v54;
	[tilespmem:s29+$0xFFFFFFB0] =	vst v11  }
0x21d: {  	v57 =	vld.idx.msk [tilespmem:v19+s15+$0x0], $0xffff;
	v2 =	vcvt.s32.f32 v2;
	v6 =	vmul.u32 v58, v47;
	[tilespmem:s29+$0xFFFFFFC0] =	vst v13;
	v1 =	vmul.f32 $1.525878910e-05, v1  }
0x21e: {  	v58 =	vcvt.s32.f32 v56;
	v5 =	vadd.s32 v51, v5;
	v4 =	vmul.f32 $1.525878910e-05, v4;
	[tilespmem:s29+$0xFFFFFFD0] =	vst v14  }
0x21f: {  	v2 =	vmul.f32 $1.525878910e-05, v2;
	v7 =	vadd.s32 v53, v7;
	v5 =	vcvt.s32.f32 v5;
	[tilespmem:s29+$0x0] =	vst v1  }
0x220: {  	v62 =	vadd.s32 v59, v8;
	v3 =	vmul.f32 $1.525878910e-05, v58;
	v7 =	vcvt.s32.f32 v7;
	[tilespmem:s29+$0x10] =	vst v4  }
0x221: {  	v60 =	vadd.s32 v55, v9;
	v1 =	vcvt.s32.f32 v62;
	[tilespmem:s29+$0xFFFFFFE0] =	vst v2;
	v61 =	vmul.f32 $1.525878910e-05, v5  }
0x222: {  	v0 =	vadd.s32 v57, v6;
	v2 =	vcvt.s32.f32 v60;
	[tilespmem:s29+$0xFFFFFFF0] =	vst v3;
	v63 =	vmul.f32 $1.525878910e-05, v7  }
0x223: {  	p1 =	sne.s32 s26, $0xF;
	v0 =	vcvt.s32.f32 v0;
	v1 =	vmul.f32 $1.525878910e-05, v1;
	[tilespmem:s29+$0x20] =	vst v61  }
.Ltmp3:
0x224: {  	v2 =	vmul.f32 $1.525878910e-05, v2;
	[tilespmem:s29+$0x30] =	vst v63;
	(pc) =	sbr.rel @p1 .LBB2_6-.Ltmp3, $4  }
0x225: {  	v0 =	vmul.f32 $1.525878910e-05, v0;
	[tilespmem:s29+$0x60] =	vst v1  }
0x226: {  	s28 =	sshrl.u32 s28, $0x3;
	[tilespmem:s29+$0x40] =	vst v2  }
0x227: {  	s0 =	sadd.s32 s3, s28;
	[tilespmem:s29+$0x50] =	vst v0  }
0x228: {  	[hbm4b:s0+s5] =	stream.linear.scatter [tilespmem:s20], [sflag:$0x3], $0x4000, $0x38;
	[tilespmem:$0x10200] =	vst v63  }
.Ltmp4:
0x229: {  	(pc) =	sbr.rel .LBB2_7-.Ltmp4, $4  }
0x22a: {  	_ = 	snop  }
0x22b: {  	_ =	swait.ge [sflag:s21], $0x4000  }
0x22c: {  	[sflag:s21] =	ssyncset.done $0x0  }
0x22d: {  	v61 =	vimm.s32 $0x7;
	[sflag:s21] =	ssyncadd.s32 $0xFFFFC000  }
.LBB2_6:
0x22e: {  	s0 =	sadd.s32 s1, s28  }
.Ltmp5:
0x22f: {  	s0 =	sadd.s32 $0x1000, s0;
	(pc) =	sbr.rel @p0 .LBB2_8-.Ltmp5, $4  }
0x230: {  	[tilespmem:s5], [sflag:$0x1] =	stream.linear.gather [hbm4b:s0+s5], $0x4000, $0x38;
	[tilespmem:$0x10200] =	vst v63  }
0x231: {  	_ =	swait.ge [sflag:s21], $0x4000  }
0x232: {  	[sflag:s21] =	ssyncset.done $0x0  }
0x233: {  	v61 =	vimm.s32 $0x7;
	[sflag:s21] =	ssyncadd.s32 $0xFFFFC000  }
.LBB2_7:
0x234: {  	_ =	swait.ge [sflag:s22], $0x4000  }
0x235: {  	[sflag:s22] =	ssyncset.done $0x0  }
0x236: {  	[sflag:s22] =	ssyncadd.s32 $0xFFFFC000  }
.LBB2_8:
0x237: {  	s0 =	simm.s32 $0x4080  }
0x238: {  	v0 =	vld [tilespmem:s0+$0x70]  }
0x239: {  	v2 =	vld [tilespmem:s0+$0xFFFFFFA0]  }
0x23a: {  	v3 =	vld [tilespmem:s0+$0xFFFFFFB0]  }
0x23b: {  	v5 =	vld [tilespmem:s0+$0xFFFFFFC0]  }
0x23c: {  	v6 =	vld [tilespmem:s0+$0xFFFFFFD0]  }
0x23d: {  	v7 =	vld [tilespmem:s0+$0xFFFFFFF0]  }
0x23e: {  	v8 =	vld [tilespmem:s0+$0x0]  }
0x23f: {  	v10 =	vld [tilespmem:s0+$0x10]  }
0x240: {  	v0 =	vmul.f32 $6.553600000e+04, v0  }
0x241: {  	v2 =	vmul.f32 $6.553600000e+04, v2;
	v3 =	vmul.f32 $6.553600000e+04, v3  }
0x242: {  	v12 =	vmul.f32 $6.553600000e+04, v5;
	v6 =	vmul.f32 $6.553600000e+04, v6  }
0x243: {  	v1 =	vld [tilespmem:s0+$0xFFFFFF90];
	v7 =	vmul.f32 $6.553600000e+04, v7;
	v8 =	vmul.f32 $6.553600000e+04, v8  }
0x244: {  	v14 =	vld [tilespmem:s0+$0x30];
	v10 =	vmul.f32 $6.553600000e+04, v10;
	v0 =	vtrunc.f32 v0  }
0x245: {  	v2 =	vtrunc.f32 v2;
	v3 =	vtrunc.f32 v3  }
0x246: {  	v12 =	vtrunc.f32 v12;
	v6 =	vtrunc.f32 v6  }
0x247: {  	v7 =	vtrunc.f32 v7;
	v19 =	vtrunc.f32 v8  }
0x248: {  	v13 =	vld.idx.msk [tilespmem:v61+s13+$0x0], $0xffff;
	v4 =	vcvt.f32.s32 v0;
	v0 =	vmul.f32 $6.553600000e+04, v1  }
0x249: {  	v8 =	vmul.f32 $6.553600000e+04, v14;
	v10 =	vtrunc.f32 v10;
	v1 =	vld [tilespmem:s0+$0xFFFFFFE0]  }
0x24a: {  	v14 =	vcvt.f32.s32 v12;
	v0 =	vtrunc.f32 v0  }
0x24b: {  	v62 =	vcvt.f32.s32 v6;
	v5 =	vcvt.f32.s32 v0;
	v0 =	vld [tilespmem:s0+$0x20]  }
0x24c: {  	v20 =	vimm.s32 $0x8;
	v63 =	vcvt.f32.s32 v19;
	v19 =	vcvt.f32.s32 v10  }
0x24d: {  	v15 =	vld [tilespmem:s0+$0x40];
	vm0 =	vgt.s32 v13, v4;
	vm3 =	vgt.s32 v13, v14;
	vm4 =	vgt.s32 v13, v62  }
0x24e: {  	v16 =	vld [tilespmem:s0+$0x50];
	v9 =	vsel vm0, $0x0, v20;
	v1 =	vmul.f32 $6.553600000e+04, v1;
	vm13 =	vgt.s32 v13, v5  }
0x24f: {  	v11 =	vor.u32 $0x3, v9;
	v24 =	vsel vm13, $0x0, v20;
	v20 =	vcvt.f32.s32 v3  }
0x250: {  	v17 =	vld [tilespmem:s0+$0xFFFFFF80];
	vm7 =	vgt.s32 v13, v63;
	v1 =	vtrunc.f32 v1;
	v0 =	vmul.f32 $6.553600000e+04, v0  }
0x251: {  	vm8 =	vgt.s32 v13, v19;
	v12 =	vcvt.f32.s32 v1;
	v1 =	vcvt.f32.s32 v7  }
0x252: {  	v26 =	vor.u32 $0x4, v24;
	v21 =	vtrunc.f32 v0;
	v0 =	vmul.f32 $6.553600000e+04, v15  }
0x253: {  	vm2 =	vgt.s32 v13, v20;
	v15 =	vtrunc.f32 v8;
	v8 =	vmul.f32 $6.553600000e+04, v16  }
0x254: {  	v11 =	vld.idx.msk [tilespmem:v11+s13+$0x0], $0xffff;
	vm5 =	vgt.s32 v13, v12;
	v10 =	vcvt.f32.s32 v21;
	v16 =	vtrunc.f32 v0  }
0x255: {  	vm6 =	vgt.s32 v13, v1;
	v0 =	vmul.f32 $6.553600000e+04, v17;
	v23 =	vtrunc.f32 v8  }
0x256: {  	v8 =	vcvt.f32.s32 v2;
	v2 =	vor.u32 $0x3, v24;
	v17 =	vimm.s32 $0x8  }
0x257: {  	v7 =	vcvt.f32.s32 v23;
	vm10 =	vgt.s32 v13, v10;
	v29 =	vsel vm5, $0x0, v17  }
0x258: {  	v18 =	vld [tilespmem:s0+$0x60];
	v30 =	vsel vm6, $0x0, v17;
	v33 =	vsel vm7, $0x0, v17;
	v34 =	vsel vm8, $0x0, v17  }
0x259: {  	vm1 =	vgt.s32 v11, v4;
	v11 =	vor.u32 $0x4, v9;
	v0 =	vtrunc.f32 v0  }
0x25a: {  	vm15 =	vgt.s32 v13, v8;
	v35 =	vor.u32 $0x3, v29;
	v36 =	vsel vm10, $0x0, v17  }
0x25b: {  	v38 =	vor.u32 $0x3, v30;
	v41 =	vor.u32 $0x3, v33;
	v22 =	vsel vm1, v9, v11  }
0x25c: {  	v43 =	vor.u32 $0x3, v34;
	v53 =	vor.u32 $0x4, v30;
	v11 =	vor.u32 $0x1, v22  }
0x25d: {  	v54 =	vor.u32 $0x4, v33;
	v9 =	vmul.f32 $6.553600000e+04, v18;
	v0 =	vcvt.f32.s32 v0  }
0x25e: {  	v55 =	vor.u32 $0x4, v34;
	v44 =	vor.u32 $0x3, v36;
	v56 =	vor.u32 $0x4, v36  }
0x25f: {  	v25 =	vtrunc.f32 v9;
	vm14 =	vgt.s32 v13, v0;
	v9 =	vcvt.f32.s32 v16  }
0x260: {  	v16 =	vsel vm15, $0x0, v17;
	v2 =	vld.idx.msk [tilespmem:v2+s13+$0x0], $0xffff;
	v6 =	vcvt.f32.s32 v25;
	v25 =	vsel vm3, $0x0, v17  }
0x261: {  	v23 =	vor.u32 $0x3, v16;
	vm13 =	vgt.s32 v13, v9;
	v28 =	vor.u32 $0x3, v25;
	v3 =	vld.idx.msk [tilespmem:v11+s13+$0x0], $0xffff  }
0x262: {  	v50 =	vor.u32 $0x4, v25;
	vm15 =	vgt.s32 v13, v6;
	v39 =	vsel vm13, $0x0, v17  }
0x263: {  	v35 =	vld.idx.msk [tilespmem:v35+s13+$0x0], $0xffff;
	v11 =	vcvt.f32.s32 v15;
	v15 =	vsel vm14, $0x0, v17;
	vm14 =	vgt.s32 v13, v7  }
0x264: {  	v41 =	vld.idx.msk [tilespmem:v41+s13+$0x0], $0xffff;
	v42 =	vsel vm15, $0x0, v17;
	v21 =	vor.u32 $0x3, v15;
	v40 =	vsel vm14, $0x0, v17  }
0x265: {  	v43 =	vld.idx.msk [tilespmem:v43+s13+$0x0], $0xffff;
	vm10 =	vgt.s32 v2, v5;
	vm12 =	vgt.s32 v13, v11;
	v13 =	vsel vm4, $0x0, v17  }
0x266: {  	v44 =	vld.idx.msk [tilespmem:v44+s13+$0x0], $0xffff;
	v31 =	vor.u32 $0x3, v13;
	vm9 =	vgt.s32 v3, v4;
	v3 =	vor.u32 $0x2, v22  }
0x267: {  	v47 =	vor.u32 $0x3, v42;
	v2 =	vld.idx.msk [tilespmem:v38+s13+$0x0], $0xffff;
	v24 =	vsel vm10, v24, v26;
	v3 =	vsel vm9, v22, v3  }
0x268: {  	v49 =	vor.u32 $0x4, v15;
	v23 =	vld.idx.msk [tilespmem:v23+s13+$0x0], $0xffff;
	v37 =	vsel vm12, $0x0, v17;
	v60 =	vor.u32 $0x1, v24  }
0x269: {  	v38 =	vor.u32 $0x4, v16;
	v28 =	vld.idx.msk [tilespmem:v28+s13+$0x0], $0xffff;
	vm6 =	vgt.s32 v41, v63;
	v45 =	vor.u32 $0x3, v37  }
0x26a: {  	vm7 =	vgt.s32 v43, v19;
	v33 =	vsel vm6, v33, v54;
	v22 =	vsel vm2, $0x0, v17;
	v21 =	vld.idx.msk [tilespmem:v21+s13+$0x0], $0xffff  }
0x26b: {  	v34 =	vsel vm7, v34, v55;
	vm8 =	vgt.s32 v44, v10;
	v27 =	vor.u32 $0x3, v22;
	v31 =	vld.idx.msk [tilespmem:v31+s13+$0x0], $0xffff  }
0x26c: {  	v54 =	vor.u32 $0x1, v34;
	v36 =	vsel vm8, v36, v56;
	vm5 =	vgt.s32 v2, v1;
	v32 =	vld.idx.msk [tilespmem:v3+s13+$0x0], $0xffff  }
0x26d: {  	vm12 =	vgt.s32 v23, v8;
	v30 =	vsel vm5, v30, v53;
	v53 =	vor.u32 $0x1, v33;
	v41 =	vld.idx.msk [tilespmem:v60+s13+$0x0], $0xffff  }
0x26e: {  	v55 =	vor.u32 $0x1, v36;
	v16 =	vsel vm12, v16, v38;
	vm14 =	vgt.s32 v28, v14;
	v45 =	vld.idx.msk [tilespmem:v45+s13+$0x0], $0xffff  }
0x26f: {  	v38 =	vor.u32 $0x1, v16;
	v25 =	vsel vm14, v25, v50;
	v50 =	vld.idx.msk [tilespmem:v47+s13+$0x0], $0xffff;
	vm11 =	vgt.s32 v21, v0  }
0x270: {  	v52 =	vor.u32 $0x4, v29;
	v46 =	vor.u32 $0x3, v39;
	v27 =	vld.idx.msk [tilespmem:v27+s13+$0x0], $0xffff;
	v26 =	vsel vm11, v15, v49  }
0x271: {  	v17 =	vimm.s32 $0x0;
	v44 =	vld.idx.msk [tilespmem:v54+s13+$0x0], $0xffff;
	v23 =	vor.u32 $0x1, v26;
	vm9 =	vle.s32 v32, v4  }
0x272: {  	v58 =	vor.u32 $0x4, v39;
	v43 =	vld.idx.msk [tilespmem:v53+s13+$0x0], $0xffff;
	v32 =	vor.u32 $0x3, v40;
	v48 =	vsel vm9, $0x1, v17  }
0x273: {  	v59 =	vor.u32 $0x4, v40;
	vm4 =	vgt.s32 v35, v12;
	v53 =	vld.idx.msk [tilespmem:v55+s13+$0x0], $0xffff;
	v3 =	vor.u32 v48, v3  }
0x274: {  	v51 =	vor.u32 $0x4, v13;
	v57 =	vor.u32 $0x4, v37;
	v29 =	vsel vm4, v29, v52;
	v38 =	vld.idx.msk [tilespmem:v38+s13+$0x0], $0xffff  }
0x275: {  	v52 =	vor.u32 $0x1, v30;
	v49 =	vor.u32 $0x4, v42;
	vm13 =	vgt.s32 v27, v20;
	v27 =	vld.idx.msk [tilespmem:v46+s13+$0x0], $0xffff  }
0x276: {  	v55 =	vor.u32 $0x2, v25;
	vm15 =	vgt.s32 v31, v62;
	v31 =	vor.u32 $0x1, v25;
	v2 =	vld.idx.msk [tilespmem:v23+s13+$0x0], $0xffff  }
0x277: {  	v60 =	vor.u32 $0x2, v26;
	vm14 =	vgt.s32 v41, v5;
	v13 =	vsel vm15, v13, v51;
	v28 =	vld.idx.msk [tilespmem:v32+s13+$0x0], $0xffff  }
0x278: {  	vm12 =	vgt.s32 v50, v6;
	v48 =	vor.u32 $0x4, v22;
	v23 =	vor.u32 $0x1, v29;
	v15 =	vld.idx.msk [tilespmem:v3+s17+$0x0], $0xffff  }
0x279: {  	v51 =	vor.u32 $0x1, v13;
	vm9 =	vgt.s32 v45, v11;
	v46 =	vsel vm13, v22, v48;
	v21 =	vld.idx.msk [tilespmem:v3+s16+$0x0], $0xffff  }
0x27a: {  	v50 =	vor.u32 $0x2, v34;
	v37 =	vsel vm9, v37, v57;
	v22 =	vld.idx.msk [tilespmem:v3+s15+$0x0], $0xffff;
	v3 =	vor.u32 $0x1, v46  }
0x27b: {  	v42 =	vsel vm12, v42, v49;
	v57 =	vld.idx.msk [tilespmem:v52+s13+$0x0], $0xffff;
	v52 =	vor.u32 $0x2, v16;
	v56 =	vor.u32 $0x1, v37  }
0x27c: {  	v31 =	vld.idx.msk [tilespmem:v31+s13+$0x0], $0xffff;
	vm10 =	vgt.s32 v27, v9;
	vm13 =	vgt.s32 v2, v0;
	v2 =	vor.u32 $0x1, v42  }
0x27d: {  	v39 =	vsel vm10, v39, v58;
	v23 =	vld.idx.msk [tilespmem:v23+s13+$0x0], $0xffff;
	v58 =	vor.u32 $0x2, v24;
	v26 =	vsel vm13, v26, v60  }
0x27e: {  	vm9 =	vgt.s32 v43, v63;
	vm15 =	vgt.s32 v38, v8;
	v27 =	vld.idx.msk [tilespmem:v51+s13+$0x0], $0xffff;
	v24 =	vsel vm14, v24, v58  }
0x27f: {  	v54 =	vor.u32 $0x2, v46;
	vm11 =	vgt.s32 v28, v7;
	v28 =	vor.u32 $0x1, v39;
	v3 =	vld.idx.msk [tilespmem:v3+s13+$0x0], $0xffff  }
0x280: {  	v16 =	vsel vm15, v16, v52;
	v51 =	vor.u32 $0x2, v36;
	v35 =	vld.idx.msk [tilespmem:v56+s13+$0x0], $0xffff;
	v40 =	vsel vm11, v40, v59  }
0x281: {  	vm5 =	vgt.s32 v31, v14;
	vm8 =	vgt.s32 v57, v1;
	v59 =	vor.u32 $0x1, v40;
	v2 =	vld.idx.msk [tilespmem:v2+s13+$0x0], $0xffff  }
0x282: {  	vm10 =	vgt.s32 v44, v19;
	v25 =	vsel vm5, v25, v55;
	vm7 =	vgt.s32 v23, v12;
	v23 =	vld.idx.msk [tilespmem:v26+s13+$0x0], $0xffff  }
0x283: {  	v56 =	vor.u32 $0x2, v29;
	v34 =	vsel vm10, v34, v50;
	vm6 =	vgt.s32 v27, v62;
	v57 =	vld.idx.msk [tilespmem:v24+s13+$0x0], $0xffff  }
0x284: {  	v27 =	vor.u32 $0x2, v30;
	v29 =	vsel vm7, v29, v56;
	vm4 =	vgt.s32 v3, v20;
	v3 =	vld.idx.msk [tilespmem:v28+s13+$0x0], $0xffff  }
0x285: {  	v27 =	vsel vm8, v30, v27;
	v30 =	vld.idx.msk [tilespmem:v16+s13+$0x0], $0xffff;
	v28 =	vor.u32 $0x2, v13;
	v46 =	vsel vm4, v46, v54  }
0x286: {  	vm11 =	vgt.s32 v53, v10;
	v31 =	vld.idx.msk [tilespmem:v59+s13+$0x0], $0xffff;
	v13 =	vsel vm6, v13, v28;
	v28 =	vor.u32 $0x2, v33  }
0x287: {  	v52 =	vor.u32 $0x2, v37;
	v36 =	vsel vm11, v36, v51;
	v53 =	vld.idx.msk [tilespmem:v25+s13+$0x0], $0xffff;
	v28 =	vsel vm9, v33, v28  }
0x288: {  	vm12 =	vgt.s32 v35, v11;
	v59 =	vor.u32 $0x2, v42;
	vm5 =	vle.s32 v57, v5;
	v57 =	vld.idx.msk [tilespmem:v34+s13+$0x0], $0xffff  }
0x289: {  	vm15 =	vgt.s32 v2, v6;
	vm4 =	vle.s32 v23, v0;
	vm13 =	vgt.s32 v3, v9;
	v3 =	vld.idx.msk [tilespmem:v29+s13+$0x0], $0xffff  }
0x28a: {  	v37 =	vsel vm12, v37, v52;
	v23 =	vsel vm15, v42, v59;
	v56 =	vsel vm4, $0x1, v17;
	v33 =	vld.idx.msk [tilespmem:v46+s13+$0x0], $0xffff  }
0x28b: {  	v45 =	vor.u32 v56, v26;
	v26 =	vsel vm5, $0x1, v17;
	vm14 =	vgt.s32 v31, v7;
	v31 =	vld.idx.msk [tilespmem:v27+s13+$0x0], $0xffff  }
0x28c: {  	v54 =	vor.u32 $0x2, v39;
	v43 =	vor.u32 v26, v24;
	v2 =	vld.idx.msk [tilespmem:v28+s13+$0x0], $0xffff  }
0x28d: {  	v58 =	vor.u32 $0x2, v40;
	vm6 =	vle.s32 v30, v8;
	v55 =	vld.idx.msk [tilespmem:v13+s13+$0x0], $0xffff;
	v47 =	vsel vm13, v39, v54  }
0x28e: {  	v30 =	vld.idx.msk [tilespmem:v36+s13+$0x0], $0xffff;
	vm8 =	vle.s32 v53, v14;
	v24 =	vsel vm6, $0x1, v17;
	v60 =	vsel vm14, v40, v58  }
0x28f: {  	v26 =	vld.idx.msk [tilespmem:v37+s13+$0x0], $0xffff;
	v39 =	vor.u32 v24, v16;
	vm13 =	vle.s32 v57, v19;
	vm7 =	vle.s32 v33, v20  }
0x290: {  	vm10 =	vle.s32 v3, v12;
	v3 =	vld.idx.msk [tilespmem:v23+s13+$0x0], $0xffff;
	vm11 =	vle.s32 v31, v1;
	v16 =	vsel vm7, $0x1, v17  }
0x291: {  	v31 =	vld.idx.msk [tilespmem:v43+s17+$0x0], $0xffff;
	vm12 =	vle.s32 v2, v63;
	v49 =	vor.u32 v16, v46;
	v16 =	vsel vm8, $0x1, v17  }
0x292: {  	v24 =	vld.idx.msk [tilespmem:v47+s13+$0x0], $0xffff;
	vm9 =	vle.s32 v55, v62;
	v2 =	vsel vm12, $0x1, v17;
	v52 =	vor.u32 v16, v25  }
0x293: {  	vm14 =	vle.s32 v30, v10;
	v58 =	vld.idx.msk [tilespmem:v60+s13+$0x0], $0xffff;
	v16 =	vsel vm9, $0x1, v17;
	v33 =	vor.u32 v2, v28  }
0x294: {  	vm15 =	vle.s32 v26, v11;
	v59 =	vld.idx.msk [tilespmem:v39+s17+$0x0], $0xffff;
	v40 =	vor.u32 v16, v13;
	v13 =	vsel vm10, $0x1, v17  }
0x295: {  	v25 =	vld.idx.msk [tilespmem:v45+s17+$0x0], $0xffff;
	v2 =	vsel vm13, $0x1, v17;
	v41 =	vor.u32 v13, v29;
	v13 =	vsel vm11, $0x1, v17  }
0x296: {  	v51 =	vor.u32 v2, v34;
	v2 =	vsel vm14, $0x1, v17;
	v42 =	vor.u32 v13, v27;
	v28 =	vld.idx.msk [tilespmem:v49+s17+$0x0], $0xffff  }
0x297: {  	v44 =	vor.u32 v2, v36;
	v2 =	vsel vm15, $0x1, v17;
	vm4 =	vle.s32 v24, v9;
	v26 =	vld.idx.msk [tilespmem:v52+s17+$0x0], $0xffff  }
0x298: {  	vm5 =	vle.s32 v58, v7;
	v27 =	vor.u32 v2, v37;
	v2 =	vsel vm4, $0x1, v17;
	v35 =	vld.idx.msk [tilespmem:v33+s17+$0x0], $0xffff  }
0x299: {  	vm6 =	vle.s32 v3, v6;
	v16 =	vor.u32 v2, v47;
	v2 =	vsel vm5, $0x1, v17;
	v24 =	vld.idx.msk [tilespmem:v40+s17+$0x0], $0xffff  }
0x29a: {  	v3 =	vor.u32 v2, v60;
	v2 =	vsel vm6, $0x1, v17;
	v30 =	vld.idx.msk [tilespmem:v41+s17+$0x0], $0xffff  }
0x29b: {  	v2 =	vor.u32 v2, v23;
	v34 =	vld.idx.msk [tilespmem:v42+s17+$0x0], $0xffff;
	[tilespmem:$0x1FAF0] =	vst v3  }
0x29c: {  	v36 =	vld.idx.msk [tilespmem:v51+s17+$0x0], $0xffff;
	[tilespmem:$0x1FB00] =	vst v2  }
0x29d: {  	v37 =	vld.idx.msk [tilespmem:v44+s17+$0x0], $0xffff  }
0x29e: {  	v38 =	vld.idx.msk [tilespmem:v27+s17+$0x0], $0xffff  }
0x29f: {  	s0 =	simm.s32 $0x4180;
	v46 =	vld.idx.msk [tilespmem:v16+s17+$0x0], $0xffff  }
0x2a0: {  	v23 =	vld [tilespmem:s0+$0x70]  }
0x2a1: {  	v47 =	vld.idx.msk [tilespmem:v3+s17+$0x0], $0xffff  }
0x2a2: {  	v50 =	vld.idx.msk [tilespmem:v45+s16+$0x0], $0xffff  }
0x2a3: {  	v53 =	vld.idx.msk [tilespmem:v43+s16+$0x0], $0xffff  }
0x2a4: {  	v4 =	vshra.s32 v4, v15;
	v15 =	vld.idx.msk [tilespmem:v39+s16+$0x0], $0xffff  }
0x2a5: {  	v4 =	vmul.u32 v21, v4;
	v48 =	vld.idx.msk [tilespmem:v2+s17+$0x0], $0xffff  }
0x2a6: {  	v2 =	vld.idx.msk [tilespmem:v61+s13+$0x0], $0xffff;
	v23 =	vmul.f32 $6.553600000e+04, v23  }
0x2a7: {  	v54 =	vld.idx.msk [tilespmem:v49+s16+$0x0], $0xffff;
	v3 =	vadd.s32 v22, v4  }
0x2a8: {  	v55 =	vld [tilespmem:s0+$0xFFFFFF90];
	[tilespmem:$0x1FC20] =	vst v3;
	v21 =	vtrunc.f32 v23  }
0x2a9: {  	v22 =	vld [tilespmem:s0+$0xFFFFFFA0];
	v29 =	vcvt.f32.s32 v21  }
0x2aa: {  	v18 =	vimm.s32 $0x8;
	v25 =	vshra.s32 v0, v25;
	v60 =	vld [tilespmem:s0+$0xFFFFFFB0]  }
0x2ab: {  	v14 =	vshra.s32 v14, v26;
	v0 =	vshra.s32 v63, v35;
	v61 =	vld [tilespmem:s0+$0xFFFFFFC0];
	vm7 =	vgt.s32 v2, v29  }
0x2ac: {  	v57 =	vshra.s32 v62, v24;
	v24 =	vld [tilespmem:s0+$0xFFFFFFD0];
	[tilespmem:$0x1FB10] =	vst v0;
	v0 =	vshra.s32 v19, v36;
	v56 =	vsel vm7, $0x0, v18  }
0x2ad: {  	v12 =	vshra.s32 v12, v30;
	v30 =	vld [tilespmem:s0+$0xFFFFFFE0];
	[tilespmem:$0x1FB20] =	vst v0;
	v0 =	vshra.s32 v10, v37;
	v26 =	vor.u32 $0x3, v56  }
0x2ae: {  	v8 =	vshra.s32 v8, v59;
	v59 =	vld [tilespmem:s0+$0xFFFFFFF0];
	[tilespmem:$0x1FB30] =	vst v0;
	v0 =	vshra.s32 v11, v38  }
0x2af: {  	v19 =	vmul.f32 $6.553600000e+04, v55;
	[tilespmem:$0x1FB40] =	vst v0;
	v0 =	vshra.s32 v9, v46  }
0x2b0: {  	v10 =	vld [tilespmem:s0+$0x0];
	[tilespmem:$0x1FB50] =	vst v0;
	v0 =	vshra.s32 v7, v47  }
0x2b1: {  	v3 =	vmul.u32 v50, v25;
	v9 =	vtrunc.f32 v19;
	v19 =	vld [tilespmem:s0+$0x10];
	[tilespmem:$0x1FB70] =	vst v0;
	v0 =	vshra.s32 v6, v48  }
0x2b2: {  	v31 =	vshra.s32 v5, v31;
	v5 =	vmul.f32 $6.553600000e+04, v60;
	v60 =	vld.idx.msk [tilespmem:v26+s13+$0x0], $0xffff;
	[tilespmem:$0x1FB80] =	vst v0  }
0x2b3: {  	v0 =	vcvt.f32.s32 v9;
	v9 =	vld [tilespmem:s0+$0x20];
	[tilespmem:$0x1FB60] =	vst v3;
	v3 =	vmul.u32 v53, v31;
	_ =	sdelay $0x1  }
0x2b4: {  	v31 =	vmul.f32 $6.553600000e+04, v59;
	v62 =	vld [tilespmem:s0+$0x30];
	[tilespmem:$0x1FB90] =	vst v3;
	v3 =	vmul.u32 v15, v8;
	_ =	sdelay $0x1  }
0x2b5: {  	v46 =	vtrunc.f32 v31;
	v31 =	vor.u32 $0x4, v56;
	v63 =	vld [tilespmem:s0+$0x40];
	[tilespmem:$0x1FBA0] =	vst v3;
	vm8 =	vgt.s32 v60, v29  }
0x2b6: {  	v50 =	vsel vm8, v56, v31;
	v31 =	vld.idx.msk [tilespmem:v52+s16+$0x0], $0xffff;
	_ =	sdelay $0x1  }
0x2b7: {  	v4 =	vld.idx.msk [tilespmem:v40+s16+$0x0], $0xffff  }
0x2b8: {  	v30 =	vmul.f32 $6.553600000e+04, v30;
	v15 =	vld [tilespmem:s0+$0x50]  }
0x2b9: {  	v32 =	vmul.f32 $6.553600000e+04, v61;
	v7 =	vtrunc.f32 v5;
	v5 =	vld.idx.msk [tilespmem:v41+s16+$0x0], $0xffff;
	v36 =	vor.u32 $0x1, v50  }
0x2ba: {  	vm9 =	vgt.s32 v2, v0;
	v25 =	vmovc v0;
	v8 =	vtrunc.f32 v30;
	v30 =	vld [tilespmem:s0+$0x60];
	v0 =	vmul.u32 v31, v14  }
0x2bb: {  	v28 =	vshra.s32 v20, v28;
	v20 =	vmul.f32 $6.553600000e+04, v22;
	v37 =	vtrunc.f32 v32;
	v47 =	vld.idx.msk [tilespmem:v42+s16+$0x0], $0xffff  }
0x2bc: {  	v55 =	vsel vm9, $0x0, v18;
	v35 =	vld [tilespmem:s0+$0xFFFFFF80];
	v32 =	vmul.f32 $6.553600000e+04, v62;
	[tilespmem:$0x1FBB0] =	vst v0;
	v0 =	vmul.u32 v4, v57  }
0x2bd: {  	v11 =	vtrunc.f32 v20;
	v19 =	vmul.f32 $6.553600000e+04, v19;
	v48 =	vor.u32 $0x3, v55  }
0x2be: {  	v56 =	vtrunc.f32 v32;
	v32 =	vcvt.f32.s32 v11;
	v11 =	vld.idx.msk [tilespmem:v36+s13+$0x0], $0xffff;
	[tilespmem:$0x1FBD0] =	vst v0;
	v0 =	vmul.u32 v5, v12  }
0x2bf: {  	v1 =	vshra.s32 v1, v34  }
0x2c0: {  	v53 =	vtrunc.f32 v19;
	v19 =	vmul.f32 $6.553600000e+04, v63;
	v21 =	vld.idx.msk [tilespmem:v33+s16+$0x0], $0xffff;
	[tilespmem:$0x1FBF0] =	vst v0;
	v0 =	vmul.u32 v47, v1;
	_ =	sdelay $0x1  }
0x2c1: {  	v60 =	vtrunc.f32 v19;
	v22 =	vld.idx.msk [tilespmem:v51+s16+$0x0], $0xffff;
	[tilespmem:$0x1FC10] =	vst v0  }
0x2c2: {  	v19 =	vmul.f32 $6.553600000e+04, v30;
	v30 =	vmul.f32 $6.553600000e+04, v35;
	v58 =	vld.idx.msk [tilespmem:v48+s13+$0x0], $0xffff  }
0x2c3: {  	v0 =	vld.idx.msk [tilespmem:v52+s15+$0x0], $0xffff  }
0x2c4: {  	v61 =	vmul.f32 $6.553600000e+04, v24;
	v14 =	vtrunc.f32 v30;
	v30 =	vld.idx.msk [tilespmem:v44+s16+$0x0], $0xffff  }
0x2c5: {  	v24 =	vld.idx.msk [tilespmem:v45+s15+$0x0], $0xffff  }
0x2c6: {  	v6 =	vtrunc.f32 v61;
	v15 =	vmul.f32 $6.553600000e+04, v15;
	v26 =	vld.idx.msk [tilespmem:v43+s15+$0x0], $0xffff  }
0x2c7: {  	v38 =	vcvt.f32.s32 v7;
	v37 =	vcvt.f32.s32 v37;
	v23 =	vld.idx.msk [tilespmem:v39+s15+$0x0], $0xffff  }
0x2c8: {  	v28 =	vmul.u32 v54, v28;
	v34 =	vcvt.f32.s32 v6;
	v63 =	vtrunc.f32 v15;
	v39 =	vld.idx.msk [tilespmem:v49+s15+$0x0], $0xffff;
	[tilespmem:$0x1FBC0] =	vst v0  }
0x2c9: {  	vm12 =	vgt.s32 v2, v38;
	v10 =	vmul.f32 $6.553600000e+04, v10;
	v49 =	vcvt.f32.s32 v63;
	v63 =	vld.idx.msk [tilespmem:v40+s15+$0x0], $0xffff  }
0x2ca: {  	vm7 =	vgt.s32 v2, v37;
	v46 =	vcvt.f32.s32 v46;
	v9 =	vmul.f32 $6.553600000e+04, v9  }
0x2cb: {  	vm13 =	vgt.s32 v2, v34;
	v10 =	vtrunc.f32 v10;
	v3 =	vcvt.f32.s32 v53  }
0x2cc: {  	vm15 =	vgt.s32 v2, v46;
	v62 =	vor.u32 $0x2, v50;
	v9 =	vtrunc.f32 v9  }
0x2cd: {  	vm5 =	vgt.s32 v2, v3;
	v61 =	vtrunc.f32 v19;
	v19 =	vcvt.f32.s32 v14  }
0x2ce: {  	v35 =	vcvt.f32.s32 v8;
	vm1 =	vgt.s32 v2, v32;
	vm11 =	vgt.s32 v11, v29;
	[tilespmem:$0x1FBE0] =	vst v63  }
0x2cf: {  	v54 =	vsel vm1, $0x0, v18;
	vm10 =	vgt.s32 v2, v19;
	v53 =	vsel vm11, v50, v62;
	v1 =	vld.idx.msk [tilespmem:v41+s15+$0x0], $0xffff  }
0x2d0: {  	vm14 =	vgt.s32 v2, v35;
	v50 =	vcvt.f32.s32 v56;
	v56 =	vsel vm10, $0x0, v18  }
0x2d1: {  	v36 =	vcvt.f32.s32 v60;
	v47 =	vcvt.f32.s32 v61;
	v43 =	vor.u32 $0x3, v56  }
0x2d2: {  	v57 =	vsel vm12, $0x0, v18;
	v45 =	vcvt.f32.s32 v10;
	v48 =	vcvt.f32.s32 v9  }
0x2d3: {  	v6 =	vor.u32 $0x3, v54;
	vm2 =	vgt.s32 v2, v36;
	vm12 =	vgt.s32 v2, v47  }
0x2d4: {  	v60 =	vor.u32 $0x3, v57;
	vm11 =	vgt.s32 v2, v45;
	vm4 =	vgt.s32 v2, v48;
	v5 =	vld.idx.msk [tilespmem:v53+s13+$0x0], $0xffff;
	[tilespmem:$0x1FC00] =	vst v1  }
0x2d5: {  	vm3 =	vgt.s32 v2, v50;
	vm0 =	vgt.s32 v2, v49;
	v2 =	vsel vm7, $0x0, v18;
	v41 =	vld.idx.msk [tilespmem:v42+s15+$0x0], $0xffff  }
0x2d6: {  	v59 =	vsel vm11, $0x0, v18;
	v0 =	vor.u32 $0x3, v2;
	v61 =	vld.idx.msk [tilespmem:v43+s13+$0x0], $0xffff  }
0x2d7: {  	v7 =	vor.u32 $0x4, v55;
	v40 =	vmov v3;
	v3 =	vor.u32 $0x3, v59;
	v43 =	vld.idx.msk [tilespmem:v33+s15+$0x0], $0xffff  }
0x2d8: {  	v62 =	vsel vm13, $0x0, v18;
	vm13 =	vgt.s32 v58, v25;
	v63 =	vsel vm14, $0x0, v18;
	v42 =	vld.idx.msk [tilespmem:v51+s15+$0x0], $0xffff  }
0x2d9: {  	v52 =	vsel vm13, v55, v7;
	v1 =	vor.u32 $0x3, v63;
	v55 =	vld.idx.msk [tilespmem:v6+s13+$0x0], $0xffff  }
0x2da: {  	v58 =	vsel vm15, $0x0, v18;
	v51 =	vor.u32 $0x3, v62;
	v60 =	vld.idx.msk [tilespmem:v60+s13+$0x0], $0xffff  }
0x2db: {  	v20 =	vor.u32 $0x4, v56;
	vm14 =	vle.s32 v5, v29;
	v33 =	vor.u32 $0x3, v58;
	v8 =	vld.idx.msk [tilespmem:v0+s13+$0x0], $0xffff  }
0x2dc: {  	v7 =	vsel vm2, $0x0, v18;
	v6 =	vsel vm4, $0x0, v18;
	v31 =	vsel vm14, $0x1, v17;
	v10 =	vld.idx.msk [tilespmem:v3+s13+$0x0], $0xffff  }
0x2dd: {  	v31 =	vor.u32 v31, v53;
	v53 =	vsel vm3, $0x0, v18;
	v0 =	vor.u32 $0x3, v6  }
0x2de: {  	v9 =	vld.idx.msk [tilespmem:v1+s13+$0x0], $0xffff;
	v1 =	vor.u32 $0x3, v53;
	vm15 =	vgt.s32 v61, v19;
	v61 =	vsel vm5, $0x0, v18  }
0x2df: {  	v51 =	vld.idx.msk [tilespmem:v51+s13+$0x0], $0xffff;
	vm7 =	vgt.s32 v55, v32;
	v55 =	vor.u32 $0x3, v7;
	vm8 =	vgt.s32 v60, v38  }
0x2e0: {  	v4 =	vld.idx.msk [tilespmem:v33+s13+$0x0], $0xffff;
	v33 =	vor.u32 $0x4, v57;
	vm9 =	vgt.s32 v8, v37;
	v8 =	vsel vm0, $0x0, v18  }
0x2e1: {  	vm13 =	vgt.s32 v10, v45;
	v20 =	vsel vm15, v56, v20;
	v56 =	vor.u32 $0x4, v54  }
0x2e2: {  	v13 =	vld.idx.msk [tilespmem:v0+s13+$0x0], $0xffff;
	v54 =	vsel vm7, v54, v56;
	v56 =	vsel vm8, v57, v33;
	v33 =	vor.u32 $0x4, v2  }
0x2e3: {  	v5 =	vor.u32 $0x3, v61;
	v0 =	vor.u32 $0x4, v62;
	v60 =	vsel vm9, v2, v33;
	v2 =	vld.idx.msk [tilespmem:v31+s16+$0x0], $0xffff  }
0x2e4: {  	v57 =	vsel vm12, $0x0, v18;
	v33 =	vor.u32 $0x4, v63;
	v12 =	vld.idx.msk [tilespmem:v1+s13+$0x0], $0xffff;
	v1 =	vor.u32 $0x1, v52  }
0x2e5: {  	vm11 =	vgt.s32 v9, v35;
	v9 =	vld.idx.msk [tilespmem:v31+s17+$0x0], $0xffff;
	vm10 =	vgt.s32 v51, v34;
	v51 =	vor.u32 $0x3, v8  }
0x2e6: {  	v14 =	vld.idx.msk [tilespmem:v55+s13+$0x0], $0xffff;
	v55 =	vor.u32 $0x3, v57;
	vm12 =	vgt.s32 v4, v46;
	v4 =	vor.u32 $0x1, v20  }
0x2e7: {  	v31 =	vld.idx.msk [tilespmem:v31+s15+$0x0], $0xffff;
	v11 =	vsel vm10, v62, v0;
	v0 =	vor.u32 $0x4, v58;
	v62 =	vsel vm11, v63, v33  }
0x2e8: {  	v5 =	vld.idx.msk [tilespmem:v5+s13+$0x0], $0xffff;
	v33 =	vor.u32 $0x4, v61;
	v3 =	vsel vm12, v58, v0;
	v0 =	vor.u32 $0x1, v60  }
0x2e9: {  	vm15 =	vgt.s32 v13, v48;
	v58 =	vor.u32 $0x1, v54;
	vm4 =	vgt.s32 v12, v50;
	v12 =	vld.idx.msk [tilespmem:v1+s13+$0x0], $0xffff  }
0x2ea: {  	v1 =	vor.u32 $0x1, v62;
	v9 =	vshra.s32 v29, v9;
	v29 =	vor.u32 $0x4, v6;
	v10 =	vld.idx.msk [tilespmem:v51+s13+$0x0], $0xffff  }
0x2eb: {  	v55 =	vld.idx.msk [tilespmem:v55+s13+$0x0], $0xffff;
	v51 =	vor.u32 $0x4, v59;
	v2 =	vmul.u32 v2, v9;
	vm5 =	vgt.s32 v14, v36  }
0x2ec: {  	v4 =	vld.idx.msk [tilespmem:v4+s13+$0x0], $0xffff;
	v9 =	vor.u32 $0x4, v7;
	v14 =	vor.u32 $0x1, v3;
	v59 =	vsel vm13, v59, v51  }
0x2ed: {  	vm14 =	vgt.s32 v5, v40;
	v7 =	vsel vm5, v7, v9;
	v0 =	vld.idx.msk [tilespmem:v0+s13+$0x0], $0xffff;
	v9 =	vor.u32 $0x1, v59  }
0x2ee: {  	v61 =	vsel vm14, v61, v33;
	v33 =	vor.u32 $0x1, v11;
	v13 =	vld.idx.msk [tilespmem:v58+s13+$0x0], $0xffff;
	v58 =	vor.u32 $0x4, v53  }
0x2ef: {  	v6 =	vsel vm15, v6, v29;
	v29 =	vsel vm4, v53, v58;
	v53 =	vld.idx.msk [tilespmem:v27+s16+$0x0], $0xffff  }
0x2f0: {  	v5 =	vor.u32 $0x1, v56;
	vm6 =	vgt.s32 v10, v49;
	v10 =	vld.idx.msk [tilespmem:v1+s13+$0x0], $0xffff  }
0x2f1: {  	v51 =	vadd.s32 v31, v2;
	v31 =	vor.u32 $0x1, v61;
	vm8 =	vgt.s32 v4, v19;
	v4 =	vld.idx.msk [tilespmem:v14+s13+$0x0], $0xffff  }
0x2f2: {  	vm9 =	vgt.s32 v12, v25;
	vm12 =	vgt.s32 v0, v37;
	v0 =	vld.idx.msk [tilespmem:v9+s13+$0x0], $0xffff;
	v9 =	vor.u32 $0x1, v7  }
0x2f3: {  	v12 =	vor.u32 $0x2, v52;
	vm7 =	vgt.s32 v55, v47;
	v2 =	vld.idx.msk [tilespmem:v33+s13+$0x0], $0xffff;
	v33 =	vor.u32 $0x4, v57  }
0x2f4: {  	v1 =	vor.u32 $0x4, v8;
	v55 =	vsel vm7, v57, v33;
	v33 =	vld.idx.msk [tilespmem:v27+s15+$0x0], $0xffff;
	v27 =	vor.u32 $0x1, v29  }
0x2f5: {  	v12 =	vsel vm9, v52, v12;
	v52 =	vld.idx.msk [tilespmem:v16+s15+$0x0], $0xffff;
	v8 =	vsel vm6, v8, v1  }
0x2f6: {  	v5 =	vld.idx.msk [tilespmem:v5+s13+$0x0], $0xffff;
	vm10 =	vgt.s32 v13, v32;
	v13 =	vor.u32 $0x1, v8  }
0x2f7: {  	vm6 =	vgt.s32 v0, v45;
	v0 =	vld.idx.msk [tilespmem:v9+s13+$0x0], $0xffff  }
0x2f8: {  	v63 =	vld.idx.msk [tilespmem:v31+s13+$0x0], $0xffff  }
0x2f9: {  	v58 =	vor.u32 $0x1, v6;
	v14 =	vld.idx.msk [tilespmem:v27+s13+$0x0], $0xffff;
	v27 =	vor.u32 $0x1, v55  }
0x2fa: {  	v57 =	vor.u32 $0x2, v20;
	v31 =	vld.idx.msk [tilespmem:v16+s16+$0x0], $0xffff;
	v16 =	vor.u32 $0x2, v62;
	vm14 =	vgt.s32 v10, v35  }
0x2fb: {  	vm13 =	vgt.s32 v2, v34;
	v2 =	vsel vm8, v20, v57;
	v20 =	vor.u32 $0x2, v54;
	v13 =	vld.idx.msk [tilespmem:v13+s13+$0x0], $0xffff  }
0x2fc: {  	v9 =	vor.u32 $0x2, v11;
	v20 =	vsel vm10, v54, v20;
	vm10 =	vgt.s32 v0, v36;
	v0 =	vld [tilespmem:$0x1FB10]  }
0x2fd: {  	v9 =	vsel vm13, v11, v9;
	v11 =	vsel vm14, v62, v16;
	v62 =	vld [tilespmem:$0x1FB20]  }
0x2fe: {  	vm7 =	vgt.s32 v63, v40;
	v63 =	vld.idx.msk [tilespmem:v27+s13+$0x0], $0xffff  }
0x2ff: {  	v15 =	vld [tilespmem:$0x1FB30];
	vm11 =	vgt.s32 v5, v38;
	v57 =	vor.u32 $0x2, v56  }
0x300: {  	v10 =	vld.idx.msk [tilespmem:v58+s13+$0x0], $0xffff;
	v58 =	vor.u32 $0x2, v60;
	vm15 =	vgt.s32 v4, v46;
	v4 =	vsel vm11, v56, v57  }
0x301: {  	v54 =	vsel vm12, v60, v58;
	v58 =	vmul.u32 v21, v0;
	v0 =	vor.u32 $0x2, v7  }
0x302: {  	vm11 =	vgt.s32 v13, v49;
	v0 =	vsel vm10, v7, v0;
	v7 =	vmul.u32 v22, v62  }
0x303: {  	v1 =	vld [tilespmem:$0x1FAF0];
	vm12 =	vgt.s32 v63, v47;
	v63 =	vor.u32 $0x2, v8;
	v22 =	vor.u32 $0x2, v55  }
0x304: {  	v5 =	vsel vm11, v8, v63;
	v8 =	vsel vm12, v55, v22;
	v55 =	vmul.u32 v30, v15;
	v15 =	vld [tilespmem:$0x1FB40];
	_ =	sdelay $0x4  }
0x305: {  	v53 =	vmul.u32 v53, v15;
	v15 =	vld [tilespmem:$0x1FB50];
	_ =	sdelay $0x2  }
0x306: {  	v16 =	vor.u32 $0x2, v3;
	v56 =	vld.idx.msk [tilespmem:v1+s15+$0x0], $0xffff  }
0x307: {  	v3 =	vsel vm15, v3, v16;
	v16 =	vor.u32 $0x2, v59;
	vm8 =	vgt.s32 v10, v48;
	v10 =	vld.idx.msk [tilespmem:v1+s16+$0x0], $0xffff  }
0x308: {  	v16 =	vsel vm6, v59, v16;
	v59 =	vmul.u32 v31, v15;
	v15 =	vld [tilespmem:$0x1FB60]  }
0x309: {  	v1 =	vld [tilespmem:$0x1FB00];
	_ =	sdelay $0x2  }
0x30a: {  	v60 =	vor.u32 $0x2, v29;
	vm9 =	vgt.s32 v14, v50  }
0x30b: {  	v57 =	vsel vm9, v29, v60;
	v60 =	vadd.s32 v24, v15;
	v15 =	vld [tilespmem:$0x1FB70];
	_ =	sdelay $0x2  }
0x30c: {  	v27 =	vor.u32 $0x2, v6  }
0x30d: {  	v6 =	vsel vm8, v6, v27;
	v27 =	vld.idx.msk [tilespmem:v1+s16+$0x0], $0xffff  }
0x30e: {  	v10 =	vmul.u32 v10, v15;
	v15 =	vld [tilespmem:$0x1FB80];
	_ =	sdelay $0x3  }
0x30f: {  	v14 =	vor.u32 $0x2, v61  }
0x310: {  	v14 =	vsel vm7, v61, v14;
	v61 =	vmul.u32 v27, v15;
	v15 =	vld [tilespmem:$0x1FB90];
	_ =	sdelay $0x3  }
0x311: {  	v21 =	vld.idx.msk [tilespmem:v2+s13+$0x0], $0xffff  }
0x312: {  	v62 =	vadd.s32 v26, v15;
	v15 =	vld [tilespmem:$0x1FBA0]  }
0x313: {  	v44 =	vld.idx.msk [tilespmem:v44+s15+$0x0], $0xffff  }
0x314: {  	v13 =	vld.idx.msk [tilespmem:v12+s13+$0x0], $0xffff  }
0x315: {  	v29 =	vld.idx.msk [tilespmem:v20+s13+$0x0], $0xffff  }
0x316: {  	v22 =	vld.idx.msk [tilespmem:v4+s13+$0x0], $0xffff  }
0x317: {  	vm13 =	vle.s32 v21, v19;
	v21 =	vld.idx.msk [tilespmem:v9+s13+$0x0], $0xffff;
	v15 =	vadd.s32 v23, v15  }
0x318: {  	v24 =	vld.idx.msk [tilespmem:v54+s13+$0x0], $0xffff;
	[tilespmem:$0x1FC30] =	vst v15  }
0x319: {  	v23 =	vsel vm13, $0x1, v17;
	v15 =	vld.idx.msk [tilespmem:v11+s13+$0x0], $0xffff  }
0x31a: {  	vm14 =	vle.s32 v13, v25;
	v31 =	vmov v25;
	v25 =	vor.u32 v23, v2;
	v2 =	vld.idx.msk [tilespmem:v3+s13+$0x0], $0xffff  }
0x31b: {  	v39 =	vadd.s32 v39, v28;
	v13 =	vsel vm14, $0x1, v17;
	vm4 =	vle.s32 v22, v38;
	v18 =	vld.idx.msk [tilespmem:v16+s13+$0x0], $0xffff  }
0x31c: {  	vm15 =	vle.s32 v29, v32;
	v30 =	vor.u32 v13, v12;
	v22 =	vsel vm4, $0x1, v17;
	v13 =	vld.idx.msk [tilespmem:v14+s13+$0x0], $0xffff  }
0x31d: {  	v12 =	vsel vm15, $0x1, v17;
	v63 =	vor.u32 v22, v4;
	vm5 =	vle.s32 v24, v37;
	v4 =	vld.idx.msk [tilespmem:v6+s13+$0x0], $0xffff  }
0x31e: {  	v28 =	vor.u32 v12, v20;
	vm6 =	vle.s32 v21, v34;
	v12 =	vsel vm5, $0x1, v17;
	v20 =	vld.idx.msk [tilespmem:v0+s13+$0x0], $0xffff  }
0x31f: {  	v26 =	vor.u32 v12, v54;
	v12 =	vsel vm6, $0x1, v17  }
0x320: {  	v27 =	vor.u32 v12, v9  }
0x321: {  	vm7 =	vle.s32 v15, v35;
	v15 =	vld.idx.msk [tilespmem:v57+s13+$0x0], $0xffff;
	vm8 =	vle.s32 v2, v46;
	vm9 =	vle.s32 v18, v45  }
0x322: {  	v2 =	vld.idx.msk [tilespmem:v5+s13+$0x0], $0xffff;
	vm10 =	vle.s32 v13, v40;
	vm11 =	vle.s32 v4, v48;
	v21 =	vsel vm7, $0x1, v17  }
0x323: {  	vm13 =	vle.s32 v20, v36;
	v9 =	vsel vm8, $0x1, v17;
	v22 =	vor.u32 v21, v11;
	v11 =	vld.idx.msk [tilespmem:v8+s13+$0x0], $0xffff  }
0x324: {  	v12 =	vsel vm10, $0x1, v17;
	v13 =	vsel vm13, $0x1, v17;
	v24 =	vor.u32 v9, v3;
	v3 =	vld.idx.msk [tilespmem:v25+s17+$0x0], $0xffff  }
0x325: {  	v9 =	vsel vm9, $0x1, v17;
	v18 =	vor.u32 v12, v14;
	v12 =	vsel vm11, $0x1, v17  }
0x326: {  	v23 =	vor.u32 v9, v16;
	v21 =	vor.u32 v12, v6;
	vm12 =	vle.s32 v15, v50  }
0x327: {  	v16 =	vor.u32 v13, v0;
	vm14 =	vle.s32 v2, v49;
	v12 =	vsel vm12, $0x1, v17  }
0x328: {  	v4 =	vld.idx.msk [tilespmem:v1+s15+$0x0], $0xffff;
	v0 =	vsel vm14, $0x1, v17;
	v20 =	vor.u32 v12, v57;
	vm15 =	vle.s32 v11, v47  }
0x329: {  	v1 =	vld [tilespmem:$0x1FBC0];
	v12 =	vshra.s32 v19, v3;
	v19 =	vor.u32 v0, v5;
	v0 =	vsel vm15, $0x1, v17  }
0x32a: {  	v17 =	vor.u32 v0, v8;
	v0 =	vld [tilespmem:$0x1FBB0]  }
0x32b: {  	v9 =	vld.idx.msk [tilespmem:v28+s17+$0x0], $0xffff;
	_ =	sdelay $0x3  }
0x32c: {  	v5 =	vadd.s32 v1, v0;
	v1 =	vld [tilespmem:$0x1FBD0]  }
0x32d: {  	v0 =	vshra.s32 v32, v9;
	v9 =	vld [tilespmem:$0x1FBE0]  }
0x32e: {  	v54 =	vld.idx.msk [tilespmem:v63+s17+$0x0], $0xffff  }
0x32f: {  	v29 =	vmov v40;
	v40 =	vld.idx.msk [tilespmem:v30+s17+$0x0], $0xffff  }
0x330: {  	v13 =	vld [tilespmem:$0x1FC00]  }
0x331: {  	v3 =	vld.idx.msk [tilespmem:v27+s17+$0x0], $0xffff  }
0x332: {  	v9 =	vadd.s32 v9, v1;
	v1 =	vld [tilespmem:$0x1FBF0]  }
0x333: {  	v2 =	vld.idx.msk [tilespmem:v26+s17+$0x0], $0xffff  }
0x334: {  	v8 =	vld.idx.msk [tilespmem:v22+s17+$0x0], $0xffff  }
0x335: {  	v57 =	vld.idx.msk [tilespmem:v24+s17+$0x0], $0xffff  }
0x336: {  	v11 =	vshra.s32 v31, v40;
	v31 =	vshra.s32 v34, v3;
	v3 =	vld [tilespmem:$0x1FC20]  }
0x337: {  	v40 =	vadd.s32 v13, v1;
	v1 =	vld [tilespmem:$0x1FC10]  }
0x338: {  	v32 =	vld.idx.msk [tilespmem:v18+s17+$0x0], $0xffff  }
0x339: {  	v14 =	vshra.s32 v35, v8;
	v8 =	vld.idx.msk [tilespmem:v20+s17+$0x0], $0xffff  }
0x33a: {  	v7 =	vadd.s32 v42, v7;
	v42 =	vadd.s32 v44, v55;
	v13 =	vshra.s32 v37, v2;
	v2 =	vld.idx.msk [tilespmem:v23+s17+$0x0], $0xffff  }
0x33b: {  	v55 =	vcvt.s32.f32 v62;
	v15 =	vshra.s32 v38, v54;
	v54 =	vcvt.s32.f32 v60;
	v37 =	vld.idx.msk [tilespmem:v21+s17+$0x0], $0xffff  }
0x33c: {  	v35 =	vadd.s32 v56, v10;
	v5 =	vcvt.s32.f32 v5;
	v38 =	vadd.s32 v41, v1;
	v1 =	vld [tilespmem:$0x1FC30]  }
0x33d: {  	v34 =	vld.idx.msk [tilespmem:v16+s17+$0x0], $0xffff;
	v3 =	vcvt.s32.f32 v3;
	v40 =	vcvt.s32.f32 v40;
	v41 =	vadd.s32 v43, v58  }
0x33e: {  	v58 =	vcvt.s32.f32 v51;
	v43 =	vadd.s32 v33, v53;
	v33 =	vshra.s32 v46, v57;
	v46 =	vld.idx.msk [tilespmem:v19+s17+$0x0], $0xffff  }
0x33f: {  	v51 =	vmul.f32 $1.525878910e-05, v3;
	v3 =	vadd.s32 v4, v61;
	v60 =	vshra.s32 v45, v2  }
0x340: {  	v6 =	vld.idx.msk [tilespmem:v30+s16+$0x0], $0xffff;
	v53 =	vcvt.s32.f32 v39;
	v61 =	vshra.s32 v29, v32;
	v32 =	vcvt.s32.f32 v9  }
0x341: {  	v56 =	vld.idx.msk [tilespmem:v17+s17+$0x0], $0xffff;
	v62 =	vshra.s32 v48, v37;
	v57 =	vcvt.s32.f32 v1;
	v1 =	vshra.s32 v50, v8  }
0x342: {  	v4 =	vld.idx.msk [tilespmem:v25+s16+$0x0], $0xffff;
	v37 =	vcvt.s32.f32 v7;
	v38 =	vcvt.s32.f32 v38;
	[tilespmem:$0x1FC40] =	vst v1;
	v1 =	vshra.s32 v36, v34  }
0x343: {  	v39 =	vcvt.s32.f32 v41;
	v2 =	vcvt.s32.f32 v43;
	v10 =	vld.idx.msk [tilespmem:v28+s16+$0x0], $0xffff;
	[tilespmem:$0x1FC50] =	vst v1;
	v1 =	vshra.s32 v49, v46  }
0x344: {  	v44 =	vadd.s32 v52, v59;
	v52 =	vmul.f32 $1.525878910e-05, v58;
	v48 =	vmul.f32 $1.525878910e-05, v53;
	v41 =	vld.idx.msk [tilespmem:v63+s16+$0x0], $0xffff;
	[tilespmem:$0x1FC60] =	vst v1  }
0x345: {  	s30 =	simm.s32 $0xC080;
	v36 =	vcvt.s32.f32 v42;
	v34 =	vcvt.s32.f32 v44;
	v42 =	vld.idx.msk [tilespmem:v26+s16+$0x0], $0xffff  }
0x346: {  	s29 =	simm.s32 $0xC180;
	v49 =	vmul.f32 $1.525878910e-05, v55;
	[tilespmem:s30+$0x70] =	vst v51;
	v51 =	vshra.s32 v47, v56;
	v44 =	vld.idx.msk [tilespmem:v27+s16+$0x0], $0xffff;
	v56 =	vmul.f32 $1.525878910e-05, v54  }
0x347: {  	v50 =	vmul.u32 v6, v11;
	v46 =	vmul.f32 $1.525878910e-05, v5;
	v1 =	vcvt.s32.f32 v35;
	[tilespmem:s29+$0x70] =	vst v52;
	v45 =	vld.idx.msk [tilespmem:v22+s16+$0x0], $0xffff  }
0x348: {  	s31 =	simm.s32 $0x10;
	s0 =	simm.s32 $0x4280;
	v35 =	vcvt.s32.f32 v3;
	v52 =	vmul.u32 v4, v12;
	v47 =	vmul.f32 $1.525878910e-05, v57;
	v43 =	vld.idx.msk [tilespmem:v24+s16+$0x0], $0xffff;
	[tilespmem:s30+$0xFFFFFF80] =	vst v56  }
.LBB2_9:
0x349: {  	v3 =	vmul.u32 v41, v15;
	_ =	sdelay $0x1  }
0x34a: {  	[tilespmem:$0x1F9E0] =	vst v3;
	v3 =	vmul.u32 v42, v13;
	_ =	sdelay $0x1  }
0x34b: {  	[tilespmem:$0x1FA00] =	vst v3;
	v3 =	vmul.u32 v44, v31  }
0x34c: {  	[tilespmem:s30+$0xFFFFFF90] =	vst v49  }
0x34d: {  	v49 =	vld [tilespmem:s0+$0xFFFFFF90];
	[tilespmem:$0x1FA20] =	vst v3;
	v3 =	vimm.s32 $0x7  }
0x34e: {  	v15 =	vmul.f32 $1.525878910e-05, v38  }
0x34f: {  	v0 =	vmul.u32 v10, v0  }
0x350: {  	[tilespmem:s30+$0xFFFFFFF0] =	vst v15  }
0x351: {  	[tilespmem:$0x1F9C0] =	vst v0;
	v0 =	vmul.f32 $1.525878910e-05, v32;
	v58 =	vld [tilespmem:s0+$0xFFFFFFF0]  }
0x352: {  	[tilespmem:$0x1F9A0] =	vst v50;
	v13 =	vmul.f32 $1.525878910e-05, v37;
	v53 =	vmul.f32 $6.553600000e+04, v49;
	v50 =	vld.idx.msk [tilespmem:v3+s13+$0x0], $0xffff  }
0x353: {  	[tilespmem:s30+$0xFFFFFFD0] =	vst v0;
	v3 =	vmul.u32 v45, v14  }
0x354: {  	v0 =	vmul.f32 $1.525878910e-05, v1;
	[tilespmem:s30+$0x10] =	vst v13;
	v13 =	vtrunc.f32 v53  }
0x355: {  	v8 =	vcvt.f32.s32 v13;
	[tilespmem:$0x1FA40] =	vst v3;
	v3 =	vmul.u32 v43, v33  }
0x356: {  	v6 =	vmul.f32 $1.525878910e-05, v39;
	[tilespmem:s30+$0x50] =	vst v0  }
0x357: {  	v0 =	vmul.f32 $6.553600000e+04, v58;
	[tilespmem:$0x1FA60] =	vst v3;
	v3 =	vimm.s32 $0x8;
	vm12 =	vgt.s32 v50, v8  }
0x358: {  	[tilespmem:s30+$0xFFFFFFB0] =	vst v48;
	v33 =	vsel vm12, $0x0, v3  }
0x359: {  	[tilespmem:s30+$0x0] =	vst v6;
	v48 =	vtrunc.f32 v0;
	v0 =	vor.u32 $0x4, v33  }
0x35a: {  	[tilespmem:$0x1F8E0] =	vst v0;
	v0 =	vld.idx.msk [tilespmem:v23+s16+$0x0], $0xffff;
	_ =	sdelay $0x4  }
0x35b: {  	[tilespmem:$0x1F8F0] =	vst v0;
	v0 =	vld.idx.msk [tilespmem:v18+s16+$0x0], $0xffff;
	_ =	sdelay $0x1  }
0x35c: {  	v36 =	vmul.f32 $1.525878910e-05, v36;
	_ =	sdelay $0x1  }
0x35d: {  	[tilespmem:s30+$0x20] =	vst v36  }
0x35e: {  	[tilespmem:$0x1F900] =	vst v0;
	v0 =	vld.idx.msk [tilespmem:v21+s16+$0x0], $0xffff;
	_ =	sdelay $0x1  }
0x35f: {  	v2 =	vmul.f32 $1.525878910e-05, v2;
	_ =	sdelay $0x1  }
0x360: {  	[tilespmem:s30+$0x30] =	vst v2  }
0x361: {  	[tilespmem:$0x1F920] =	vst v0;
	v0 =	vld.idx.msk [tilespmem:v20+s16+$0x0], $0xffff;
	_ =	sdelay $0x1  }
0x362: {  	v34 =	vmul.f32 $1.525878910e-05, v34;
	_ =	sdelay $0x1  }
0x363: {  	[tilespmem:s30+$0x40] =	vst v34  }
0x364: {  	[tilespmem:$0x1F930] =	vst v0;
	v0 =	vld.idx.msk [tilespmem:v16+s16+$0x0], $0xffff;
	_ =	sdelay $0x4  }
0x365: {  	[tilespmem:$0x1F940] =	vst v0;
	v0 =	vld.idx.msk [tilespmem:v19+s16+$0x0], $0xffff  }
0x366: {  	[tilespmem:$0x1F910] =	vst v61;
	v40 =	vmul.f32 $1.525878910e-05, v40  }
0x367: {  	v61 =	vld [tilespmem:s0+$0x70];
	[tilespmem:s30+$0xFFFFFFA0] =	vst v47;
	v1 =	vmul.f32 $1.525878910e-05, v35  }
0x368: {  	v7 =	vld [tilespmem:s0+$0xFFFFFFA0];
	[tilespmem:s30+$0xFFFFFFE0] =	vst v40  }
0x369: {  	v47 =	vld [tilespmem:s0+$0xFFFFFFB0];
	[tilespmem:s30+$0x60] =	vst v1  }
0x36a: {  	[tilespmem:$0x1F970] =	vst v0;
	v0 =	vld.idx.msk [tilespmem:v17+s16+$0x0], $0xffff  }
0x36b: {  	[tilespmem:$0x1F950] =	vst v52;
	v55 =	vld [tilespmem:s0+$0xFFFFFFE0]  }
0x36c: {  	[tilespmem:s30+$0xFFFFFFC0] =	vst v46;
	v38 =	vld [tilespmem:s0+$0x0];
	v52 =	vmul.f32 $6.553600000e+04, v61  }
0x36d: {  	v15 =	vmul.f32 $6.553600000e+04, v7;
	v31 =	vld [tilespmem:s0+$0xFFFFFFC0]  }
0x36e: {  	v56 =	vtrunc.f32 v52;
	v57 =	vmul.f32 $6.553600000e+04, v47;
	v54 =	vld [tilespmem:s0+$0xFFFFFFD0]  }
0x36f: {  	v32 =	vcvt.f32.s32 v56;
	[tilespmem:$0x1F990] =	vst v0;
	v0 =	vld.idx.msk [tilespmem:v25+s15+$0x0], $0xffff  }
0x370: {  	v15 =	vtrunc.f32 v15;
	v35 =	vtrunc.f32 v57;
	v61 =	vld [tilespmem:s0+$0x10]  }
0x371: {  	v4 =	vmul.f32 $6.553600000e+04, v55;
	v13 =	vld [tilespmem:s0+$0x20];
	v1 =	vmul.f32 $6.553600000e+04, v38  }
0x372: {  	v5 =	vld [tilespmem:s0+$0x30];
	v42 =	vcvt.f32.s32 v15;
	v46 =	vcvt.f32.s32 v35  }
0x373: {  	v36 =	vtrunc.f32 v4;
	v59 =	vmul.f32 $6.553600000e+04, v31  }
0x374: {  	v44 =	vcvt.f32.s32 v36;
	v2 =	vmul.f32 $6.553600000e+04, v54;
	vm0 =	vgt.s32 v50, v32;
	[tilespmem:$0x1F960] =	vst v0;
	v0 =	vld.idx.msk [tilespmem:v30+s15+$0x0], $0xffff  }
0x375: {  	v40 =	vmul.f32 $6.553600000e+04, v61;
	v34 =	vtrunc.f32 v59;
	v59 =	vld [tilespmem:s0+$0xFFFFFF80];
	v41 =	vsel vm0, $0x0, v3  }
0x376: {  	v61 =	vtrunc.f32 v1;
	v1 =	vmul.f32 $6.553600000e+04, v13;
	v6 =	vor.u32 $0x3, v41  }
0x377: {  	v7 =	vld [tilespmem:s0+$0x40];
	v13 =	vmul.f32 $6.553600000e+04, v5;
	v4 =	vtrunc.f32 v40  }
0x378: {  	v56 =	vld [tilespmem:s0+$0x50];
	v45 =	vcvt.f32.s32 v34;
	v40 =	vcvt.f32.s32 v61  }
0x379: {  	v43 =	vtrunc.f32 v2;
	v49 =	vcvt.f32.s32 v4;
	[tilespmem:$0x1F9B0] =	vst v0;
	v0 =	vld.idx.msk [tilespmem:v28+s15+$0x0], $0xffff  }
0x37a: {  	v58 =	vld [tilespmem:s0+$0x60];
	v43 =	vcvt.f32.s32 v43;
	v47 =	vmul.f32 $6.553600000e+04, v59;
	vm1 =	vgt.s32 v50, v42  }
0x37b: {  	vm2 =	vgt.s32 v50, v46;
	vm3 =	vgt.s32 v50, v45;
	v5 =	vld.idx.msk [tilespmem:v6+s13+$0x0], $0xffff;
	v6 =	vtrunc.f32 v1  }
0x37c: {  	vm4 =	vgt.s32 v50, v43;
	v1 =	vmul.f32 $6.553600000e+04, v7;
	v7 =	vtrunc.f32 v13  }
0x37d: {  	[tilespmem:$0x1F980] =	vst v51;
	vm5 =	vgt.s32 v50, v44;
	v13 =	vmul.f32 $6.553600000e+04, v56;
	v51 =	vcvt.f32.s32 v6  }
0x37e: {  	vm7 =	vgt.s32 v50, v40;
	v52 =	vcvt.f32.s32 v7;
	v10 =	vtrunc.f32 v1;
	[tilespmem:$0x1F9D0] =	vst v0;
	v0 =	vld.idx.msk [tilespmem:v63+s15+$0x0], $0xffff  }
0x37f: {  	vm8 =	vgt.s32 v50, v49;
	v1 =	vmul.f32 $6.553600000e+04, v58;
	v54 =	vtrunc.f32 v13  }
0x380: {  	v13 =	vor.u32 $0x4, v41;
	v2 =	vcvt.f32.s32 v10;
	v54 =	vcvt.f32.s32 v54  }
0x381: {  	vm9 =	vgt.s32 v50, v51;
	v55 =	vtrunc.f32 v1;
	v1 =	vtrunc.f32 v47  }
0x382: {  	vm10 =	vgt.s32 v50, v52;
	vm13 =	vgt.s32 v5, v32;
	v47 =	vcvt.f32.s32 v1  }
0x383: {  	v56 =	vsel vm13, v41, v13;
	v41 =	vcvt.f32.s32 v48;
	[tilespmem:$0x1F9F0] =	vst v0;
	v0 =	vcvt.f32.s32 v55  }
0x384: {  	vm11 =	vgt.s32 v50, v2;
	vm0 =	vgt.s32 v50, v54;
	vm14 =	vgt.s32 v50, v47  }
0x385: {  	vm6 =	vgt.s32 v50, v41;
	vm12 =	vgt.s32 v50, v0;
	v50 =	vmov v0;
	v0 =	vld.idx.msk [tilespmem:v22+s15+$0x0], $0xffff;
	_ =	sdelay $0x4  }
0x386: {  	[tilespmem:$0x1FA50] =	vst v0;
	v0 =	vld.idx.msk [tilespmem:v24+s15+$0x0], $0xffff;
	_ =	sdelay $0x4  }
0x387: {  	[tilespmem:$0x1FA70] =	vst v0;
	v0 =	vld.idx.msk [tilespmem:v23+s15+$0x0], $0xffff;
	_ =	sdelay $0x3  }
0x388: {  	v57 =	vor.u32 $0x3, v33  }
0x389: {  	[tilespmem:$0x1FA80] =	vst v0;
	v0 =	vld.idx.msk [tilespmem:v18+s15+$0x0], $0xffff;
	_ =	sdelay $0x3  }
0x38a: {  	v14 =	vld.idx.msk [tilespmem:v57+s13+$0x0], $0xffff;
	v57 =	vor.u32 $0x1, v56  }
0x38b: {  	[tilespmem:$0x1FA90] =	vst v0;
	v0 =	vld.idx.msk [tilespmem:v21+s15+$0x0], $0xffff;
	_ =	sdelay $0x3  }
0x38c: {  	v10 =	vld.idx.msk [tilespmem:v57+s13+$0x0], $0xffff  }
0x38d: {  	[tilespmem:$0x1FAA0] =	vst v0;
	v0 =	vld.idx.msk [tilespmem:v20+s15+$0x0], $0xffff;
	_ =	sdelay $0x2  }
0x38e: {  	v1 =	vld.idx.msk [tilespmem:v26+s15+$0x0], $0xffff;
	v30 =	vsel vm3, $0x0, v3  }
0x38f: {  	v5 =	vor.u32 $0x3, v30  }
0x390: {  	vm15 =	vgt.s32 v10, v32;
	v10 =	vor.u32 $0x2, v56;
	[tilespmem:$0x1FAB0] =	vst v0;
	v0 =	vld.idx.msk [tilespmem:v16+s15+$0x0], $0xffff  }
0x391: {  	v26 =	vsel vm14, $0x0, v3;
	v61 =	vsel vm15, v56, v10  }
0x392: {  	v48 =	vor.u32 $0x3, v26;
	v22 =	vsel vm1, $0x0, v3  }
0x393: {  	[tilespmem:$0x1FA10] =	vst v1;
	v1 =	vld.idx.msk [tilespmem:v27+s15+$0x0], $0xffff;
	v57 =	vmov v60;
	v60 =	vsel vm9, $0x0, v3;
	v4 =	vor.u32 $0x3, v22  }
0x394: {  	v13 =	vor.u32 $0x3, v60;
	v5 =	vld.idx.msk [tilespmem:v5+s13+$0x0], $0xffff  }
0x395: {  	v24 =	vsel vm4, $0x0, v3;
	[tilespmem:$0x1FAC0] =	vst v0;
	v0 =	vld.idx.msk [tilespmem:v19+s15+$0x0], $0xffff  }
0x396: {  	v12 =	vld.idx.msk [tilespmem:v61+s13+$0x0], $0xffff;
	v6 =	vor.u32 $0x3, v24  }
0x397: {  	v63 =	vld.idx.msk [tilespmem:v48+s13+$0x0], $0xffff;
	v23 =	vsel vm7, $0x0, v3  }
0x398: {  	v27 =	vsel vm2, $0x0, v3;
	v4 =	vld.idx.msk [tilespmem:v4+s13+$0x0], $0xffff;
	v10 =	vor.u32 $0x3, v23  }
0x399: {  	v58 =	vsel vm6, $0x0, v3;
	vm9 =	vgt.s32 v5, v45;
	v5 =	vld.idx.msk [tilespmem:v13+s13+$0x0], $0xffff;
	v16 =	vor.u32 $0x3, v27  }
0x39a: {  	v53 =	vsel vm5, $0x0, v3;
	v59 =	vsel vm8, $0x0, v3;
	v7 =	vor.u32 $0x3, v58;
	[tilespmem:$0x1FAD0] =	vst v0;
	v0 =	vld.idx.msk [tilespmem:v17+s15+$0x0], $0xffff  }
0x39b: {  	v11 =	vor.u32 $0x4, v58;
	v29 =	vor.u32 $0x4, v60;
	[tilespmem:$0x1FA30] =	vst v1;
	v1 =	vor.u32 $0x4, v26;
	v6 =	vld.idx.msk [tilespmem:v6+s13+$0x0], $0xffff  }
0x39c: {  	v56 =	vmovc v62;
	v62 =	vsel vm10, $0x0, v3;
	vm5 =	vle.s32 v12, v32;
	v25 =	vor.u32 $0x4, v59  }
0x39d: {  	v28 =	vor.u32 $0x3, v62;
	vm6 =	vgt.s32 v63, v47;
	vm7 =	vgt.s32 v4, v42;
	v4 =	vld.idx.msk [tilespmem:v10+s13+$0x0], $0xffff  }
0x39e: {  	v1 =	vsel vm6, v26, v1;
	vm15 =	vgt.s32 v5, v51;
	v16 =	vld.idx.msk [tilespmem:v16+s13+$0x0], $0xffff;
	v17 =	vor.u32 $0x3, v59  }
0x39f: {  	v29 =	vsel vm15, v60, v29;
	vm4 =	vgt.s32 v14, v8;
	v10 =	vor.u32 $0x1, v1;
	[tilespmem:$0x1FAE0] =	vst v0;
	v0 =	vld [tilespmem:$0x1F8E0]  }
0x3a0: {  	v48 =	vmovc v8;
	v8 =	vor.u32 $0x4, v24;
	vm10 =	vgt.s32 v6, v43;
	v19 =	vor.u32 $0x3, v53  }
0x3a1: {  	v14 =	vor.u32 $0x4, v22;
	v15 =	vor.u32 $0x4, v23;
	v8 =	vsel vm10, v24, v8  }
0x3a2: {  	v7 =	vld.idx.msk [tilespmem:v7+s13+$0x0], $0xffff;
	v18 =	vsel vm0, $0x0, v3;
	v24 =	vor.u32 $0x1, v8;
	v21 =	vsel vm11, $0x0, v3  }
0x3a3: {  	v36 =	vor.u32 $0x3, v18;
	v34 =	vor.u32 $0x3, v21;
	vm8 =	vgt.s32 v16, v46;
	v16 =	vld.idx.msk [tilespmem:v17+s13+$0x0], $0xffff  }
0x3a4: {  	v10 =	vld.idx.msk [tilespmem:v10+s13+$0x0], $0xffff;
	v20 =	vsel vm12, $0x0, v3;
	v12 =	vsel vm4, v33, v0;
	v33 =	vimm.s32 $0x0  }
0x3a5: {  	v3 =	vor.u32 $0x4, v30;
	v19 =	vld.idx.msk [tilespmem:v19+s13+$0x0], $0xffff;
	v0 =	vsel vm5, $0x1, v33;
	v63 =	vor.u32 $0x1, v12  }
0x3a6: {  	v37 =	vor.u32 $0x3, v20;
	v3 =	vsel vm9, v30, v3;
	v0 =	vor.u32 v0, v61;
	v61 =	vld.idx.msk [tilespmem:v28+s13+$0x0], $0xffff  }
0x3a7: {  	v14 =	vsel vm7, v22, v14;
	v60 =	vld.idx.msk [tilespmem:v24+s13+$0x0], $0xffff;
	vm12 =	vgt.s32 v7, v41;
	v22 =	vor.u32 $0x1, v3  }
0x3a8: {  	vm13 =	vgt.s32 v4, v40;
	v11 =	vsel vm12, v58, v11;
	v58 =	vld.idx.msk [tilespmem:v34+s13+$0x0], $0xffff;
	vm14 =	vgt.s32 v16, v49  }
0x3a9: {  	v15 =	vsel vm13, v23, v15;
	v23 =	vsel vm14, v59, v25;
	v59 =	vld.idx.msk [tilespmem:v36+s13+$0x0], $0xffff  }
0x3aa: {  	v9 =	vor.u32 $0x4, v53;
	v55 =	vmovc v2;
	v2 =	vor.u32 $0x4, v27;
	vm11 =	vgt.s32 v19, v44;
	v34 =	vld.idx.msk [tilespmem:v63+s13+$0x0], $0xffff  }
0x3ab: {  	v9 =	vsel vm11, v53, v9;
	v28 =	vor.u32 $0x1, v11;
	vm4 =	vgt.s32 v61, v52;
	v61 =	vld.idx.msk [tilespmem:v37+s13+$0x0], $0xffff  }
0x3ac: {  	v2 =	vsel vm8, v27, v2;
	v27 =	vor.u32 $0x1, v9;
	v63 =	vld.idx.msk [tilespmem:v22+s13+$0x0], $0xffff  }
0x3ad: {  	v16 =	vor.u32 $0x1, v15;
	v19 =	vld.idx.msk [tilespmem:v0+s17+$0x0], $0xffff  }
0x3ae: {  	v31 =	vor.u32 $0x4, v62;
	v38 =	vor.u32 $0x4, v18;
	v13 =	vor.u32 $0x1, v2;
	v7 =	vld.idx.msk [tilespmem:v0+s16+$0x0], $0xffff  }
0x3af: {  	v39 =	vor.u32 $0x4, v20;
	v30 =	vor.u32 $0x1, v29;
	vm6 =	vgt.s32 v59, v54;
	v0 =	vld.idx.msk [tilespmem:v0+s15+$0x0], $0xffff  }
0x3b0: {  	vm8 =	vgt.s32 v10, v47;
	v18 =	vsel vm6, v18, v38;
	v10 =	vld.idx.msk [tilespmem:v28+s13+$0x0], $0xffff;
	vm7 =	vgt.s32 v61, v50  }
0x3b1: {  	v35 =	vor.u32 $0x4, v21;
	v61 =	vld.idx.msk [tilespmem:v27+s13+$0x0], $0xffff;
	v27 =	vor.u32 $0x1, v18;
	v20 =	vsel vm7, v20, v39  }
0x3b2: {  	v53 =	vor.u32 $0x2, v1;
	v16 =	vld.idx.msk [tilespmem:v16+s13+$0x0], $0xffff;
	v19 =	vshra.s32 v32, v19;
	v28 =	vor.u32 $0x1, v20  }
0x3b3: {  	vm5 =	vgt.s32 v58, v55;
	v31 =	vsel vm4, v62, v31;
	v62 =	vld.idx.msk [tilespmem:v13+s13+$0x0], $0xffff;
	v7 =	vmul.u32 v7, v19  }
0x3b4: {  	vm13 =	vgt.s32 v60, v43;
	v1 =	vsel vm8, v1, v53;
	v21 =	vsel vm5, v21, v35  }
0x3b5: {  	v22 =	vor.u32 $0x1, v21;
	vm12 =	vgt.s32 v63, v45;
	v63 =	vld.idx.msk [tilespmem:v30+s13+$0x0], $0xffff;
	v0 =	vadd.s32 v0, v7  }
0x3b6: {  	v13 =	vor.u32 $0x2, v3;
	vm15 =	vgt.s32 v10, v41;
	v0 =	vcvt.s32.f32 v0;
	v10 =	vld.idx.msk [tilespmem:v27+s13+$0x0], $0xffff  }
0x3b7: {  	v37 =	vor.u32 $0x2, v2;
	v60 =	vor.u32 $0x2, v18;
	v3 =	vsel vm12, v3, v13;
	v13 =	vld.idx.msk [tilespmem:v28+s13+$0x0], $0xffff  }
0x3b8: {  	vm6 =	vgt.s32 v16, v40;
	vm11 =	vgt.s32 v62, v46;
	v0 =	vmul.f32 $1.525878910e-05, v0  }
0x3b9: {  	s30 =	smov.u32 s29;
	s29 =	sadd.s32 $0x100, s29;
	v30 =	vor.u32 $0x2, v29;
	v32 =	vor.u32 $0x2, v11;
	v2 =	vsel vm11, v2, v37  }
0x3ba: {  	vm8 =	vgt.s32 v63, v51;
	vm14 =	vgt.s32 v61, v44;
	[tilespmem:s29+$0x70] =	vst v0;
	v0 =	vor.u32 $0x2, v15  }
0x3bb: {  	v61 =	vld.idx.msk [tilespmem:v22+s13+$0x0], $0xffff;
	v22 =	vor.u32 $0x2, v20;
	v0 =	vsel vm6, v15, v0;
	vm11 =	vgt.s32 v10, v54  }
0x3bc: {  	v15 =	vsel vm8, v29, v30;
	v29 =	vsel vm11, v18, v60;
	v18 =	vld [tilespmem:$0x1FC40];
	vm12 =	vgt.s32 v13, v50  }
0x3bd: {  	v4 =	vsel vm15, v11, v32;
	v32 =	vsel vm12, v20, v22;
	v20 =	vld [tilespmem:$0x1F930];
	_ =	sdelay $0x3  }
0x3be: {  	v17 =	vor.u32 $0x1, v14  }
0x3bf: {  	v39 =	vmul.u32 v20, v18;
	v18 =	vld [tilespmem:$0x1FC50]  }
0x3c0: {  	v20 =	vld [tilespmem:$0x1F940];
	_ =	sdelay $0x2  }
0x3c1: {  	v17 =	vld.idx.msk [tilespmem:v17+s13+$0x0], $0xffff  }
0x3c2: {  	v22 =	vld [tilespmem:$0x1F960]  }
0x3c3: {  	vm9 =	vgt.s32 v34, v48;
	v34 =	vmul.u32 v20, v18;
	v20 =	vld [tilespmem:$0x1F950];
	_ =	sdelay $0x2  }
0x3c4: {  	v25 =	vor.u32 $0x1, v23;
	vm10 =	vgt.s32 v17, v42;
	v19 =	vor.u32 $0x2, v14  }
0x3c5: {  	v35 =	vor.u32 $0x2, v21;
	v14 =	vsel vm10, v14, v19;
	vm10 =	vgt.s32 v61, v55  }
0x3c6: {  	v36 =	vor.u32 $0x1, v31;
	v19 =	vsel vm10, v21, v35;
	v35 =	vadd.s32 v22, v20;
	v20 =	vld [tilespmem:$0x1FC60]  }
0x3c7: {  	v22 =	vld [tilespmem:$0x1F970]  }
0x3c8: {  	v26 =	vor.u32 $0x2, v12  }
0x3c9: {  	v53 =	vld [tilespmem:$0x1F8F0];
	v12 =	vsel vm9, v12, v26  }
0x3ca: {  	v62 =	vld.idx.msk [tilespmem:v25+s13+$0x0], $0xffff  }
0x3cb: {  	v59 =	vld.idx.msk [tilespmem:v36+s13+$0x0], $0xffff  }
0x3cc: {  	v36 =	vmul.u32 v22, v20;
	v20 =	vld [tilespmem:$0x1F980]  }
0x3cd: {  	v22 =	vld [tilespmem:$0x1F990]  }
0x3ce: {  	v63 =	vld.idx.msk [tilespmem:v12+s13+$0x0], $0xffff  }
0x3cf: {  	vm7 =	vgt.s32 v62, v49;
	v62 =	vld.idx.msk [tilespmem:v1+s13+$0x0], $0xffff  }
0x3d0: {  	v5 =	vld.idx.msk [tilespmem:v4+s13+$0x0], $0xffff  }
0x3d1: {  	v13 =	vld [tilespmem:$0x1F920]  }
0x3d2: {  	v37 =	vmul.u32 v22, v20;
	v20 =	vld [tilespmem:$0x1F9A0]  }
0x3d3: {  	v17 =	vor.u32 $0x2, v9;
	v22 =	vld [tilespmem:$0x1F9B0]  }
0x3d4: {  	v9 =	vsel vm14, v9, v17;
	v17 =	vld.idx.msk [tilespmem:v14+s13+$0x0], $0xffff  }
0x3d5: {  	v10 =	vld [tilespmem:$0x1F900]  }
0x3d6: {  	v58 =	vmov v48;
	v48 =	vor.u32 $0x2, v31;
	vm9 =	vgt.s32 v59, v52;
	v21 =	vld [tilespmem:$0x1F910]  }
0x3d7: {  	v16 =	vsel vm9, v31, v48;
	v31 =	vmul.u32 v13, v56;
	v13 =	vld.idx.msk [tilespmem:v3+s13+$0x0], $0xffff  }
0x3d8: {  	v24 =	vor.u32 $0x2, v8;
	v38 =	vadd.s32 v22, v20;
	v20 =	vld [tilespmem:$0x1F9C0]  }
0x3d9: {  	v8 =	vsel vm13, v8, v24;
	v25 =	vor.u32 $0x2, v23;
	v22 =	vld [tilespmem:$0x1F9D0]  }
0x3da: {  	v11 =	vsel vm7, v23, v25;
	v23 =	vld [tilespmem:$0x1F9F0]  }
0x3db: {  	v7 =	vld.idx.msk [tilespmem:v9+s13+$0x0], $0xffff  }
0x3dc: {  	v10 =	vmul.u32 v10, v21;
	v21 =	vld.idx.msk [tilespmem:v2+s13+$0x0], $0xffff  }
0x3dd: {  	v6 =	vmul.u32 v53, v57;
	vm13 =	vle.s32 v62, v47;
	vm5 =	vle.s32 v13, v45;
	v13 =	vld.idx.msk [tilespmem:v15+s13+$0x0], $0xffff  }
0x3de: {  	vm14 =	vle.s32 v63, v58;
	v18 =	vld.idx.msk [tilespmem:v8+s13+$0x0], $0xffff;
	v53 =	vadd.s32 v22, v20;
	v20 =	vsel vm13, $0x1, v33  }
0x3df: {  	vm15 =	vle.s32 v17, v42;
	v17 =	vld.idx.msk [tilespmem:v0+s13+$0x0], $0xffff;
	v25 =	vor.u32 v20, v1;
	v1 =	vsel vm14, $0x1, v33  }
0x3e0: {  	vm8 =	vle.s32 v5, v41;
	v30 =	vor.u32 v1, v12;
	v12 =	vld.idx.msk [tilespmem:v11+s13+$0x0], $0xffff  }
0x3e1: {  	vm7 =	vle.s32 v7, v44;
	vm4 =	vle.s32 v21, v46;
	v22 =	vld [tilespmem:$0x1F9E0];
	v1 =	vsel vm15, $0x1, v33  }
0x3e2: {  	vm11 =	vle.s32 v13, v51;
	v13 =	vld [tilespmem:$0x1FA30];
	v28 =	vor.u32 v1, v14;
	v1 =	vsel vm4, $0x1, v33  }
0x3e3: {  	vm6 =	vle.s32 v18, v43;
	v63 =	vor.u32 v1, v2;
	v1 =	vsel vm5, $0x1, v33;
	v2 =	vld.idx.msk [tilespmem:v16+s13+$0x0], $0xffff  }
0x3e4: {  	vm9 =	vle.s32 v17, v40;
	v26 =	vor.u32 v1, v3;
	v1 =	vsel vm6, $0x1, v33;
	v3 =	vld.idx.msk [tilespmem:v19+s13+$0x0], $0xffff  }
0x3e5: {  	v59 =	vmovc v50;
	v27 =	vor.u32 v1, v8;
	v1 =	vsel vm7, $0x1, v33;
	vm10 =	vle.s32 v12, v49;
	v12 =	vld [tilespmem:$0x1FA20]  }
0x3e6: {  	v50 =	vmovc v58;
	v57 =	vld.idx.msk [tilespmem:v29+s13+$0x0], $0xffff;
	v58 =	vadd.s32 v23, v22;
	v22 =	vor.u32 v1, v9;
	v1 =	vsel vm8, $0x1, v33  }
0x3e7: {  	v60 =	vld.idx.msk [tilespmem:v32+s13+$0x0], $0xffff;
	v24 =	vor.u32 v1, v4;
	v1 =	vsel vm9, $0x1, v33  }
0x3e8: {  	v23 =	vor.u32 v1, v0;
	v0 =	vsel vm10, $0x1, v33;
	vm12 =	vle.s32 v2, v52  }
0x3e9: {  	v14 =	vld [tilespmem:$0x1FA50];
	v18 =	vor.u32 v0, v11;
	v0 =	vsel vm11, $0x1, v33;
	vm13 =	vle.s32 v3, v55  }
0x3ea: {  	v21 =	vor.u32 v0, v15;
	v0 =	vsel vm12, $0x1, v33;
	v12 =	vadd.s32 v13, v12;
	v13 =	vld [tilespmem:$0x1FA40]  }
0x3eb: {  	vm14 =	vle.s32 v57, v54;
	v20 =	vor.u32 v0, v16;
	v0 =	vsel vm13, $0x1, v33  }
0x3ec: {  	vm15 =	vle.s32 v60, v59;
	v1 =	vld.idx.msk [tilespmem:v28+s17+$0x0], $0xffff;
	v16 =	vor.u32 v0, v19;
	v0 =	vsel vm14, $0x1, v33  }
0x3ed: {  	v11 =	vld [tilespmem:$0x1FA10];
	v19 =	vor.u32 v0, v29;
	v0 =	vsel vm15, $0x1, v33  }
0x3ee: {  	v17 =	vor.u32 v0, v32;
	v0 =	vld [tilespmem:$0x1FA00]  }
0x3ef: {  	v29 =	vadd.s32 v14, v13;
	v13 =	vld [tilespmem:$0x1FA60]  }
0x3f0: {  	v14 =	vld [tilespmem:$0x1FA70];
	_ =	sdelay $0x3  }
0x3f1: {  	v3 =	vld.idx.msk [tilespmem:v26+s17+$0x0], $0xffff  }
0x3f2: {  	v11 =	vadd.s32 v11, v0;
	v0 =	vshra.s32 v42, v1;
	v42 =	vadd.s32 v14, v13;
	v13 =	vld [tilespmem:$0x1FA80]  }
0x3f3: {  	v14 =	vld [tilespmem:$0x1FA90];
	_ =	sdelay $0x3  }
0x3f4: {  	v2 =	vld.idx.msk [tilespmem:v63+s17+$0x0], $0xffff  }
0x3f5: {  	v6 =	vadd.s32 v13, v6;
	v13 =	vshra.s32 v45, v3;
	v45 =	vadd.s32 v14, v10;
	v10 =	vld [tilespmem:$0x1FAA0];
	_ =	sdelay $0x2  }
0x3f6: {  	v8 =	vld.idx.msk [tilespmem:v25+s17+$0x0], $0xffff  }
0x3f7: {  	v62 =	vld.idx.msk [tilespmem:v27+s17+$0x0], $0xffff  }
0x3f8: {  	v15 =	vshra.s32 v46, v2;
	v46 =	vadd.s32 v10, v31;
	v10 =	vld [tilespmem:$0x1FAB0]  }
0x3f9: {  	v57 =	vld.idx.msk [tilespmem:v25+s16+$0x0], $0xffff  }
0x3fa: {  	v61 =	vld.idx.msk [tilespmem:v30+s17+$0x0], $0xffff  }
0x3fb: {  	v7 =	vshra.s32 v47, v8;
	v8 =	vld.idx.msk [tilespmem:v22+s17+$0x0], $0xffff  }
0x3fc: {  	v9 =	vld.idx.msk [tilespmem:v24+s17+$0x0], $0xffff  }
0x3fd: {  	v31 =	vshra.s32 v43, v62;
	v43 =	vadd.s32 v10, v39;
	v10 =	vld [tilespmem:$0x1FAC0]  }
0x3fe: {  	v2 =	vld.idx.msk [tilespmem:v18+s17+$0x0], $0xffff  }
0x3ff: {  	v32 =	vcvt.s32.f32 v12;
	v12 =	vld.idx.msk [tilespmem:v30+s16+$0x0], $0xffff  }
0x400: {  	v5 =	vld.idx.msk [tilespmem:v20+s17+$0x0], $0xffff  }
0x401: {  	v1 =	vld.idx.msk [tilespmem:v23+s17+$0x0], $0xffff  }
0x402: {  	v34 =	vadd.s32 v10, v34;
	v10 =	vld [tilespmem:$0x1FAD0]  }
0x403: {  	v35 =	vcvt.s32.f32 v35;
	v4 =	vshra.s32 v50, v61;
	v50 =	vcvt.s32.f32 v38;
	v3 =	vld.idx.msk [tilespmem:v21+s17+$0x0], $0xffff  }
0x404: {  	v53 =	vcvt.s32.f32 v53;
	v56 =	vcvt.s32.f32 v58;
	v14 =	vshra.s32 v44, v8;
	v8 =	vld.idx.msk [tilespmem:v16+s17+$0x0], $0xffff  }
0x405: {  	v33 =	vshra.s32 v41, v9;
	v9 =	vld.idx.msk [tilespmem:v19+s17+$0x0], $0xffff;
	v61 =	vshra.s32 v49, v2;
	v49 =	vmul.f32 $1.525878910e-05, v50  }
0x406: {  	v41 =	vld.idx.msk [tilespmem:v63+s16+$0x0], $0xffff;
	v50 =	vmul.u32 v12, v4;
	v11 =	vcvt.s32.f32 v11;
	v38 =	vcvt.s32.f32 v42  }
0x407: {  	s31 =	sadd.s32 $0x10, s31;
	v60 =	vshra.s32 v40, v1;
	v40 =	vcvt.s32.f32 v29;
	v44 =	vadd.s32 v10, v36;
	v10 =	vld [tilespmem:$0x1FAE0]  }
0x408: {  	p0 =	slt.u32 s31, $0x3F0;
	v48 =	vmovc v55;
	v55 =	vld.idx.msk [tilespmem:v17+s17+$0x0], $0xffff;
	v1 =	vshra.s32 v52, v5;
	v62 =	vshra.s32 v51, v3;
	v3 =	vmul.f32 $1.525878910e-05, v35  }
.Ltmp6:
0x409: {  	v42 =	vld.idx.msk [tilespmem:v26+s16+$0x0], $0xffff;
	[tilespmem:$0x1FC40] =	vst v1;
	v1 =	vshra.s32 v48, v8;
	v48 =	vmul.f32 $1.525878910e-05, v56;
	v39 =	vcvt.s32.f32 v6;
	(pc) =	sbr.rel @p0 .LBB2_9-.Ltmp6, $4  }
0x40a: {  	[tilespmem:$0x1FC50] =	vst v1;
	v1 =	vshra.s32 v54, v9;
	v2 =	vcvt.s32.f32 v43;
	v43 =	vld.idx.msk [tilespmem:v24+s16+$0x0], $0xffff;
	v34 =	vcvt.s32.f32 v34  }
0x40b: {  	v52 =	vmul.u32 v57, v7;
	[tilespmem:$0x1FC60] =	vst v1;
	v36 =	vcvt.s32.f32 v46;
	v1 =	vcvt.s32.f32 v44;
	v44 =	vld.idx.msk [tilespmem:v27+s16+$0x0], $0xffff  }
0x40c: {  	v46 =	vmul.f32 $1.525878910e-05, v11;
	v47 =	vadd.s32 v10, v37;
	v10 =	vld.idx.msk [tilespmem:v28+s16+$0x0], $0xffff;
	v37 =	vcvt.s32.f32 v45  }
0x40d: {  	s0 =	sadd.s32 $0x100, s0;
	v51 =	vshra.s32 v59, v55;
	[tilespmem:s30+$0xFFFFFF80] =	vst v3;
	v45 =	vld.idx.msk [tilespmem:v22+s16+$0x0], $0xffff;
	v35 =	vcvt.s32.f32 v47;
	v47 =	vmul.f32 $1.525878910e-05, v53  }
0x40e: {  	_ =	sdelay $0x3  }
0x40f: {  	v3 =	vld.idx.msk [tilespmem:v23+s16+$0x0], $0xffff  }
0x410: {  	v4 =	vld.idx.msk [tilespmem:v18+s16+$0x0], $0xffff  }
0x411: {  	v5 =	vld.idx.msk [tilespmem:v21+s16+$0x0], $0xffff  }
0x412: {  	v7 =	vld.idx.msk [tilespmem:v20+s16+$0x0], $0xffff  }
0x413: {  	v9 =	vld.idx.msk [tilespmem:v16+s16+$0x0], $0xffff  }
0x414: {  	v56 =	vld.idx.msk [tilespmem:v17+s16+$0x0], $0xffff  }
0x415: {  	v59 =	vld.idx.msk [tilespmem:v25+s15+$0x0], $0xffff  }
0x416: {  	[tilespmem:s30+$0xFFFFFF90] =	vst v49;
	v11 =	vmul.f32 $1.525878910e-05, v38;
	v38 =	vld.idx.msk [tilespmem:v30+s15+$0x0], $0xffff  }
0x417: {  	[tilespmem:s30+$0xFFFFFFB0] =	vst v48;
	v8 =	vmul.f32 $1.525878910e-05, v40;
	v40 =	vld.idx.msk [tilespmem:v28+s15+$0x0], $0xffff  }
0x418: {  	v6 =	vmul.f32 $1.525878910e-05, v32;
	[tilespmem:s30+$0xFFFFFFC0] =	vst v46;
	v26 =	vld.idx.msk [tilespmem:v26+s15+$0x0], $0xffff  }
0x419: {  	v27 =	vld.idx.msk [tilespmem:v27+s15+$0x0], $0xffff;
	[tilespmem:s30+$0xFFFFFFA0] =	vst v47  }
0x41a: {  	v12 =	vmul.f32 $1.525878910e-05, v39;
	v46 =	vld.idx.msk [tilespmem:v22+s15+$0x0], $0xffff;
	[tilespmem:s30+$0xFFFFFFD0] =	vst v6  }
0x41b: {  	v57 =	vmul.u32 v41, v15;
	v58 =	vmul.f32 $1.525878910e-05, v37;
	v37 =	vmul.f32 $1.525878910e-05, v36;
	v48 =	vld.idx.msk [tilespmem:v24+s15+$0x0], $0xffff;
	[tilespmem:s30+$0xFFFFFFE0] =	vst v8  }
0x41c: {  	v13 =	vmul.u32 v42, v13;
	v2 =	vmul.f32 $1.525878910e-05, v2;
	v39 =	vmul.f32 $1.525878910e-05, v34;
	v49 =	vld.idx.msk [tilespmem:v23+s15+$0x0], $0xffff;
	[tilespmem:s30+$0xFFFFFFF0] =	vst v11  }
0x41d: {  	v1 =	vmul.f32 $1.525878910e-05, v1;
	v41 =	vmul.f32 $1.525878910e-05, v35;
	v42 =	vmul.u32 v43, v33;
	v43 =	vld.idx.msk [tilespmem:v63+s15+$0x0], $0xffff;
	[tilespmem:s30+$0x0] =	vst v12  }
0x41e: {  	v29 =	vmul.u32 v44, v31;
	[tilespmem:s30+$0x10] =	vst v58;
	v0 =	vmul.u32 v10, v0;
	v14 =	vmul.u32 v45, v14  }
0x41f: {  	[tilespmem:s30+$0x20] =	vst v37;
	v3 =	vmul.u32 v3, v60;
	v4 =	vmul.u32 v4, v61;
	v11 =	vadd.s32 v59, v52  }
0x420: {  	v44 =	vld [tilespmem:$0x1FC40];
	v12 =	vadd.s32 v38, v50;
	v8 =	vmul.u32 v56, v51;
	v0 =	vadd.s32 v40, v0  }
0x421: {  	v45 =	vld [tilespmem:$0x1FC50];
	[tilespmem:s30+$0x30] =	vst v2;
	v13 =	vadd.s32 v26, v13;
	v11 =	vcvt.s32.f32 v11;
	v12 =	vcvt.s32.f32 v12  }
0x422: {  	v47 =	vld [tilespmem:$0x1FC60];
	[tilespmem:s30+$0x40] =	vst v39;
	v52 =	vadd.s32 v27, v29;
	v0 =	vcvt.s32.f32 v0;
	v13 =	vcvt.s32.f32 v13  }
0x423: {  	v55 =	vld.idx.msk [tilespmem:v19+s16+$0x0], $0xffff;
	[tilespmem:s30+$0x50] =	vst v1;
	v56 =	vadd.s32 v48, v42;
	v54 =	vcvt.s32.f32 v52;
	v11 =	vmul.f32 $1.525878910e-05, v11  }
0x424: {  	[tilespmem:s30+$0x60] =	vst v41;
	v50 =	vld.idx.msk [tilespmem:v18+s15+$0x0], $0xffff;
	v10 =	vadd.s32 v43, v57;
	v58 =	vcvt.s32.f32 v56;
	v12 =	vmul.f32 $1.525878910e-05, v12  }
0x425: {  	v51 =	vld.idx.msk [tilespmem:v21+s15+$0x0], $0xffff;
	v2 =	vadd.s32 v46, v14;
	v10 =	vcvt.s32.f32 v10;
	v0 =	vmul.f32 $1.525878910e-05, v0;
	[tilespmem:s29+$0xFFFFFF80] =	vst v11  }
0x426: {  	v53 =	vld.idx.msk [tilespmem:v20+s15+$0x0], $0xffff;
	v5 =	vmul.u32 v5, v62;
	v2 =	vcvt.s32.f32 v2;
	v13 =	vmul.f32 $1.525878910e-05, v13;
	[tilespmem:s29+$0xFFFFFF90] =	vst v12  }
0x427: {  	v59 =	vld.idx.msk [tilespmem:v17+s15+$0x0], $0xffff;
	v1 =	vadd.s32 v49, v3;
	v7 =	vmul.u32 v7, v44;
	v14 =	vmul.f32 $1.525878910e-05, v54;
	[tilespmem:s29+$0xFFFFFFA0] =	vst v0  }
0x428: {  	v57 =	vld.idx.msk [tilespmem:v19+s15+$0x0], $0xffff;
	v1 =	vcvt.s32.f32 v1;
	v3 =	vmul.f32 $1.525878910e-05, v58;
	v9 =	vmul.u32 v9, v45;
	[tilespmem:s29+$0xFFFFFFC0] =	vst v13  }
0x429: {  	v10 =	vmul.f32 $1.525878910e-05, v10;
	v6 =	vmul.u32 v55, v47;
	v55 =	vld.idx.msk [tilespmem:v16+s15+$0x0], $0xffff;
	v4 =	vadd.s32 v50, v4;
	[tilespmem:s29+$0xFFFFFFD0] =	vst v14  }
0x42a: {  	v2 =	vmul.f32 $1.525878910e-05, v2;
	v5 =	vadd.s32 v51, v5;
	[tilespmem:s29+$0xFFFFFFF0] =	vst v3;
	v4 =	vcvt.s32.f32 v4  }
0x42b: {  	v7 =	vadd.s32 v53, v7;
	v1 =	vmul.f32 $1.525878910e-05, v1;
	[tilespmem:s29+$0xFFFFFFB0] =	vst v10;
	v5 =	vcvt.s32.f32 v5  }
0x42c: {  	v62 =	vadd.s32 v59, v8;
	[tilespmem:s29+$0xFFFFFFE0] =	vst v2;
	v7 =	vcvt.s32.f32 v7;
	v4 =	vmul.f32 $1.525878910e-05, v4  }
0x42d: {  	v0 =	vadd.s32 v57, v6;
	[tilespmem:s29+$0x0] =	vst v1;
	v1 =	vcvt.s32.f32 v62;
	v61 =	vmul.f32 $1.525878910e-05, v5  }
0x42e: {  	v0 =	vcvt.s32.f32 v0;
	v63 =	vmul.f32 $1.525878910e-05, v7;
	v60 =	vadd.s32 v55, v9;
	[tilespmem:s29+$0x10] =	vst v4  }
0x42f: {  	p0 =	seq.s32 s26, $0xF;
	v1 =	vmul.f32 $1.525878910e-05, v1;
	[tilespmem:s29+$0x20] =	vst v61;
	v2 =	vcvt.s32.f32 v60  }
.Ltmp7:
0x430: {  	v0 =	vmul.f32 $1.525878910e-05, v0;
	[tilespmem:s29+$0x30] =	vst v63;
	(pc) =	sbr.rel @p0 .LBB2_12-.Ltmp7, $4  }
0x431: {  	[tilespmem:s29+$0x60] =	vst v1;
	v2 =	vmul.f32 $1.525878910e-05, v2  }
0x432: {  	s0 =	sadd.s32 s28, s3;
	[tilespmem:s29+$0x50] =	vst v0  }
0x433: {  	s0 =	sadd.s32 $0x800, s0;
	[tilespmem:s29+$0x40] =	vst v2  }
0x434: {  	[hbm4b:s0+s5] =	stream.linear.scatter [tilespmem:s23], [sflag:$0x4], $0x4000, $0x38;
	[tilespmem:$0x10200] =	vst v63  }
.Ltmp8:
0x435: {  	(pc) =	sbr.rel .LBB2_2-.Ltmp8, $4  }
0x436: {  	_ = 	snop  }
0x437: {  	s0 =	sadd.s32 s1, s28  }
0x438: {  	s26 =	sadd.s32 $0x1, s26;
	s0 =	sadd.s32 $0x1800, s0  }
0x439: {  	v61 =	vimm.s32 $0x7;
	[tilespmem:s18], [sflag:$0x2] =	stream.linear.gather [hbm4b:s0+s5], $0x4000, $0x38;
	[tilespmem:$0x10200] =	vst v63  }
.LBB2_13:
0x43a: {  	_ =	sfence.sel $0x180000  }
0x43b: {  	[bflag:$0x0] =	sbarrier.arrive $0xFFFF  }
0x43c: {  	_ =	strace $0x90000047  }
0x43d: {  	[bflag:$0x2] =	sbarrier.arrive $0xFFFF  }
0x43e: {  	p0 =	sne.s32 s4, $0x0;
	s0 =	rddreg [dreg:$0x4]  }
0x43f: {  	s0 =	sadd.s32 @!p0 $0x100000, s0  }
0x440: {  	[sflag:s0] =	ssyncadd.tile.s32 @!p0 $0x1;
	_ =	shalt  }
.Lfunc_end2:
_tile_overlayer_lowered:
.L_overlay_start_2:
0x441: {  	(tag) =	ssettag $0x2  }
0x442: {  	s0 =	rddreg [dreg:$0x0];
	s2 =	stileid.u32  }
0x443: {  	s1 =	rddreg [dreg:$0x1];
	p0 =	sne.s32 s2, $0x0  }
0x444: {  	s3 =	rddreg [dreg:$0x2];
	[bflag:$0x3] =	sbarrier.arrive $0xFFFF;
	s2 =	simm.s32 @!p0 $0x1C05  }
0x445: {  	[timem:s3], [sflag:s2] =	dma.local @!p0 [hbm:s0], s1  }
0x446: {  	s0 =	simm.s32 @!p0 $0x5  }
0x447: {  	_ =	swait.ge @!p0 [sflag:s0], s1  }
0x448: {  	s1 =	ssub.s32 @!p0 $0x0, s1;
	[sflag:s0] =	ssyncset.done @!p0 $0x0  }
0x449: {  	[sflag:s0] =	ssyncadd.s32 @!p0 s1  }
0x44a: {  	[bflag:$0x3] =	sbarrier.arrive $0xFFFF  }
0x44b: {  	_ =	shalt  }

</sc_bundles>
